<compile_context>
chip_gen: v7x
topology: tpu7x:2x2x1
jax: 0.10.2.dev20260603
libtpu: 0.0.44.dev20260713+nightly
codegen_flags: <defaults>
</compile_context>

<pallas_src>
import functools

import jax
import jax.numpy as jnp
from jax import lax
from jax.experimental import pallas as pl
from jax.experimental.pallas import tpu as pltpu
from jax.experimental.pallas import tpu_sc as plsc

NC = 2
NS = 16
CHUNK = 128
N_PAD = 10240
ROWS_PER_TILE = N_PAD // NS
DEG_W = 16

_mesh = plsc.VectorSubcoreMesh(core_axis_name="c", subcore_axis_name="s")


def _make_sc_scatter(chunks_per_w, d):

  gather = chunks_per_w is not None

  @functools.partial(
      pl.kernel,
      mesh=_mesh,
      out_type=jax.ShapeDtypeStruct((NC * N_PAD, d), jnp.float32),
      scratch_types=[
          pltpu.VMEM((chunks_per_w if gather else 1, CHUNK), jnp.int32),
          pltpu.VMEM((chunks_per_w if gather else 1, CHUNK), jnp.int32),
          pltpu.VMEM((CHUNK, d), jnp.float32),
          pltpu.VMEM_SHARED((N_PAD, d), jnp.float32),
      ],
  )
  def k(yt_hbm, src_hbm, dst_hbm, zeros_hbm, out_hbm, srcv, dstv, buf, acc):
    c = lax.axis_index("c")
    s = lax.axis_index("s")
    w = c * NS + s
    pltpu.sync_copy(src_hbm.at[w], srcv)
    pltpu.sync_copy(dst_hbm.at[w], dstv)
    row0 = s * ROWS_PER_TILE
    pltpu.sync_copy(
        zeros_hbm.at[pl.ds(row0, ROWS_PER_TILE)],
        acc.at[pl.ds(row0, ROWS_PER_TILE)],
    )
    plsc.subcore_barrier()

    def body(j, carry):
      pltpu.sync_copy(yt_hbm.at[srcv.at[j]], buf)
      pltpu.sync_copy(buf, acc.at[dstv.at[j]], add=True)
      return carry

    lax.fori_loop(0, chunks_per_w, body, 0)
    plsc.subcore_barrier()
    pltpu.sync_copy(
        acc.at[pl.ds(row0, ROWS_PER_TILE)],
        out_hbm.at[pl.ds(c * N_PAD + row0, ROWS_PER_TILE)],
    )

  return k


def _make_sc_deg(chunks_per_w):

  @functools.partial(
      pl.kernel,
      mesh=_mesh,
      out_type=jax.ShapeDtypeStruct((NC * N_PAD, DEG_W), jnp.float32),
      scratch_types=[
          pltpu.VMEM((chunks_per_w, CHUNK), jnp.int32),
          pltpu.VMEM((CHUNK, DEG_W), jnp.float32),
          pltpu.VMEM_SHARED((N_PAD, DEG_W), jnp.float32),
      ],
  )
  def k(ones_hbm, dst_hbm, zeros_hbm, out_hbm, dstv, ones_v, acc):
    c = lax.axis_index("c")
    s = lax.axis_index("s")
    w = c * NS + s
    pltpu.sync_copy(dst_hbm.at[w], dstv)
    pltpu.sync_copy(ones_hbm, ones_v)
    row0 = s * ROWS_PER_TILE
    pltpu.sync_copy(
        zeros_hbm.at[pl.ds(row0, ROWS_PER_TILE)],
        acc.at[pl.ds(row0, ROWS_PER_TILE)],
    )
    plsc.subcore_barrier()

    def body(j, carry):
      pltpu.sync_copy(ones_v, acc.at[dstv.at[j]], add=True)
      return carry

    lax.fori_loop(0, chunks_per_w, body, 0)
    plsc.subcore_barrier()
    pltpu.sync_copy(
        acc.at[pl.ds(row0, ROWS_PER_TILE)],
        out_hbm.at[pl.ds(c * N_PAD + row0, ROWS_PER_TILE)],
    )

  return k


def _prep_body(pd0_ref, pd1_ref, x_ref, dinv_ref, yt_ref):
  deg = 1.0 + pd0_ref[:, 0:1] + pd1_ref[:, 0:1]
  dinv = lax.rsqrt(deg)
  dinv_ref[...] = dinv
  yt_ref[...] = x_ref[...] * dinv


def _layer1_body(p0_ref, p1_ref, yt_ref, dinv_ref, w_ref, b_ref, out_ref):
  agg = (p0_ref[...] + p1_ref[...] + yt_ref[...]) * dinv_ref[...]
  h = jnp.dot(agg, w_ref[...], preferred_element_type=jnp.float32)
  h = jnp.maximum(h + b_ref[...], 0.0)
  out_ref[...] = h * dinv_ref[...]


def _head_body(q0_ref, q1_ref, yt_ref, dinv_ref, wmu_ref, bmu_ref, wlv_ref,
               blv_ref, mu_ref, lv_ref):
  agg = (q0_ref[...] + q1_ref[...] + yt_ref[...]) * dinv_ref[...]
  mu_ref[...] = (
      jnp.dot(agg, wmu_ref[...], preferred_element_type=jnp.float32)
      + bmu_ref[...]
  )
  lv_ref[...] = (
      jnp.dot(agg, wlv_ref[...], preferred_element_type=jnp.float32)
      + blv_ref[...]
  )


def kernel(x, edge_index, W1, b1, Wmu, bmu, Wlv, blv):
  n_nodes, in_dim = x.shape
  hid = W1.shape[1]
  z = Wmu.shape[1]
  n_edges = edge_index.shape[1]

  nw = NC * NS
  chunks_per_w = -(-n_edges // (nw * CHUNK))
  e_pad = nw * chunks_per_w * CHUNK

  src = edge_index[0].astype(jnp.int32)
  dst = edge_index[1].astype(jnp.int32)
  pad = jnp.full((e_pad - n_edges,), n_nodes, dtype=jnp.int32)
  srcp = jnp.concatenate([src, pad]).reshape(nw, chunks_per_w, CHUNK)
  dstp = jnp.concatenate([dst, pad]).reshape(nw, chunks_per_w, CHUNK)

  x_pad = jnp.zeros((N_PAD, in_dim), x.dtype).at[:n_nodes].set(x)
  zeros_d = jnp.zeros((N_PAD, in_dim), jnp.float32)
  zeros_deg = jnp.zeros((N_PAD, DEG_W), jnp.float32)
  ones_deg = jnp.ones((CHUNK, DEG_W), jnp.float32)

  sc_deg = _make_sc_deg(chunks_per_w)
  sc_scatter = _make_sc_scatter(chunks_per_w, in_dim)

  degp = sc_deg(ones_deg, dstp, zeros_deg)
  pd0 = degp[:N_PAD]
  pd1 = degp[N_PAD:]

  bm = 1024
  grid = (N_PAD // bm,)
  row_spec = lambda d: pl.BlockSpec((bm, d), lambda i: (i, 0))
  full_spec = lambda a, b: pl.BlockSpec((a, b), lambda i: (0, 0))

  dinv, yt1 = pl.pallas_call(
      _prep_body,
      grid=grid,
      in_specs=[row_spec(DEG_W), row_spec(DEG_W), row_spec(in_dim)],
      out_specs=[row_spec(1), row_spec(in_dim)],
      out_shape=[
          jax.ShapeDtypeStruct((N_PAD, 1), jnp.float32),
          jax.ShapeDtypeStruct((N_PAD, in_dim), jnp.float32),
      ],
  )(pd0, pd1, x_pad)

  p = sc_scatter(yt1, srcp, dstp, zeros_d)

  yt2 = pl.pallas_call(
      _layer1_body,
      grid=grid,
      in_specs=[
          row_spec(in_dim),
          row_spec(in_dim),
          row_spec(in_dim),
          row_spec(1),
          full_spec(in_dim, hid),
          full_spec(1, hid),
      ],
      out_specs=row_spec(hid),
      out_shape=jax.ShapeDtypeStruct((N_PAD, hid), jnp.float32),
  )(p[:N_PAD], p[N_PAD:], yt1, dinv, W1, b1.reshape(1, hid))

  q = sc_scatter(yt2, srcp, dstp, zeros_d)

  mu, lv = pl.pallas_call(
      _head_body,
      grid=grid,
      in_specs=[
          row_spec(hid),
          row_spec(hid),
          row_spec(hid),
          row_spec(1),
          full_spec(hid, z),
          full_spec(1, z),
          full_spec(hid, z),
          full_spec(1, z),
      ],
      out_specs=[row_spec(z), row_spec(z)],
      out_shape=[
          jax.ShapeDtypeStruct((N_PAD, z), jnp.float32),
          jax.ShapeDtypeStruct((N_PAD, z), jnp.float32),
      ],
  )(q[:N_PAD], q[N_PAD:], yt2, dinv, Wmu, bmu.reshape(1, z), Wlv,
    blv.reshape(1, z))

  return (mu[:n_nodes], lv[:n_nodes])

# --- scband reference (transcript-rebuilt; emitter-appended) ---
"""Pipeline reference for scband-gcnencoder-12077448036459 (READ-ONLY COPY).

The authoritative reference and input builder live on the scoring server;
editing this copy changes nothing except your own understanding.
"""

import jax, jax.numpy as jnp
import numpy as np

N_NODES = 10000
N_EDGES = 320000
IN_DIM = 128
HIDDEN_DIM = 128
Z_DIM = 64


def gcn_conv(x, W, b, src, dst, n_nodes):
    # PyG GCNConv: x' = D^{-1/2} (A + I) D^{-1/2} (x W) + b
    h = x @ W
    loop = jnp.arange(n_nodes, dtype=src.dtype)
    src2 = jnp.concatenate([src, loop])
    dst2 = jnp.concatenate([dst, loop])
    ones = jnp.ones(src2.shape[0], dtype=h.dtype)
    deg = jax.ops.segment_sum(ones, dst2, num_segments=n_nodes)
    dinv = jnp.where(deg > 0, jax.lax.rsqrt(jnp.maximum(deg, 1e-12)), 0.0)
    norm = dinv[src2] * dinv[dst2]
    msgs = h[src2] * norm[:, None]
    out = jax.ops.segment_sum(msgs, dst2, num_segments=n_nodes)
    return out + b


def setup_inputs(seed: int = 0) -> dict:
    key = jax.random.key(seed)
    k_x, k_e, k_w1, k_b1, k_wm, k_bm, k_wl, k_bl = jax.random.split(key, 8)
    x = jax.random.normal(k_x, (N_NODES, IN_DIM), dtype=jnp.float32)
    edge_index = jax.random.randint(k_e, (2, N_EDGES), 0, N_NODES, dtype=jnp.int64 if jax.config.jax_enable_x64 else jnp.int32)
    s1 = 1.0 / np.sqrt(IN_DIM)
    s2 = 1.0 / np.sqrt(HIDDEN_DIM)
    W1 = jax.random.uniform(k_w1, (IN_DIM, HIDDEN_DIM), dtype=jnp.float32, minval=-s1, maxval=s1)
    b1 = jnp.zeros((HIDDEN_DIM,), dtype=jnp.float32)
    Wmu = jax.random.uniform(k_wm, (HIDDEN_DIM, Z_DIM), dtype=jnp.float32, minval=-s2, maxval=s2)
    bmu = jnp.zeros((Z_DIM,), dtype=jnp.float32)
    Wlv = jax.random.uniform(k_wl, (HIDDEN_DIM, Z_DIM), dtype=jnp.float32, minval=-s2, maxval=s2)
    blv = jnp.zeros((Z_DIM,), dtype=jnp.float32)
    return {"x": x, "edge_index": edge_index, "W1": W1, "b1": b1, "Wmu": Wmu, "bmu": bmu, "Wlv": Wlv, "blv": blv}


def reference(x, edge_index, W1, b1, Wmu, bmu, Wlv, blv):
    src = edge_index[0]
    dst = edge_index[1]
    h = jax.nn.relu(gcn_conv(x, W1, b1, src, dst, N_NODES))
    mu = gcn_conv(h, Wmu, bmu, src, dst, N_NODES)
    logvar = gcn_conv(h, Wlv, blv, src, dst, N_NODES)
    return (mu, logvar)

if __name__ == "__main__":
    import jax
    _d = setup_inputs()
    print(jax.jit(kernel)(*tuple(_d.values())))

</pallas_src>

<mosaic_0001>
#map = affine_map<(d0, d1) -> (0, 0)>
#map1 = affine_map<(d0, d1) -> (0, 0, 0)>
module attributes {stable_mosaic.version = 14 : i64} {
  func.func @k(%arg0: i32, %arg1: i32, %arg2: memref<128x16xf32, #tpu.memory_space<hbm>>, %arg3: memref<32x79x128xi32, #tpu.memory_space<hbm>>, %arg4: memref<10240x16xf32, #tpu.memory_space<hbm>>, %arg5: memref<20480x16xf32, #tpu.memory_space<hbm>>, %arg6: memref<79x128xi32, #tpu.memory_space<vmem>>, %arg7: memref<128x16xf32, #tpu.memory_space<vmem>>, %arg8: memref<10240x16xf32, #tpu.memory_space<vmem_shared>>) attributes {dimension_semantics = [#tpu.dimension_semantics<core_parallel>, #tpu.dimension_semantics<subcore_parallel>], iteration_bounds = array<i64: 2, 16>, scalar_prefetch = 0 : i64, scratch_operands = 3 : i64, tpu.core_type = #tpu.core_type<sc_vector_subcore>, window_params = [{transform_indices = #map}, {transform_indices = #map1}, {transform_indices = #map}, {transform_indices = #map}]} {
    %mul3A = arith.constant 16 : i32
    %mul3A_0 = arith.muli %arg0, %mul3A : i32
    %add3A = arith.addi %mul3A_0, %arg1 : i32
    "tpu.region"() ({
      %run_scoped3A = tpu.sem_alloc : memref<!tpu.dma_semaphore, #tpu.memory_space<semaphore_mem>>
      %dma_start3A = arith.constant 0 : i32
      %dma_start3A_12 = arith.constant 0 : i32
      %dma_start3A_13 = tpu.memref_slice %arg3[%add3A, %dma_start3A, %dma_start3A_12] : memref<32x79x128xi32, #tpu.memory_space<hbm>> -> memref<1x79x128xi32, #tpu.memory_space<hbm>>
      %dma_start3A_14 = tpu.memref_squeeze %dma_start3A_13 : memref<1x79x128xi32, #tpu.memory_space<hbm>> -> memref<79x128xi32, #tpu.memory_space<hbm>>
      %dma_start3A_15 = arith.constant 0 : i32
      %dma_start3A_16 = arith.constant 0 : i32
      %dma_start3A_17 = tpu.memref_slice %arg3[%add3A, %dma_start3A_15, %dma_start3A_16] : memref<32x79x128xi32, #tpu.memory_space<hbm>> -> memref<1x79x128xi32, #tpu.memory_space<hbm>>
      %dma_start3A_18 = tpu.memref_squeeze %dma_start3A_17 : memref<1x79x128xi32, #tpu.memory_space<hbm>> -> memref<79x128xi32, #tpu.memory_space<hbm>>
      tpu.enqueue_dma source(%dma_start3A_18 : memref<79x128xi32, #tpu.memory_space<hbm>>) target(%arg6 : memref<79x128xi32, #tpu.memory_space<vmem>>) target_semaphore(%run_scoped3A : memref<!tpu.dma_semaphore, #tpu.memory_space<semaphore_mem>>)
      %dma_wait3A = arith.constant 0 : i32
      %dma_wait3A_19 = arith.constant 0 : i32
      %dma_wait3A_20 = tpu.memref_slice %arg3[%add3A, %dma_wait3A, %dma_wait3A_19] : memref<32x79x128xi32, #tpu.memory_space<hbm>> -> memref<1x79x128xi32, #tpu.memory_space<hbm>>
      %dma_wait3A_21 = tpu.memref_squeeze %dma_wait3A_20 : memref<1x79x128xi32, #tpu.memory_space<hbm>> -> memref<79x128xi32, #tpu.memory_space<hbm>>
      %dma_wait3A_22 = arith.constant 0 : i32
      %dma_wait3A_23 = arith.constant 0 : i32
      %dma_wait3A_24 = tpu.memref_slice %arg3[%add3A, %dma_wait3A_22, %dma_wait3A_23] : memref<32x79x128xi32, #tpu.memory_space<hbm>> -> memref<1x79x128xi32, #tpu.memory_space<hbm>>
      %dma_wait3A_25 = tpu.memref_squeeze %dma_wait3A_24 : memref<1x79x128xi32, #tpu.memory_space<hbm>> -> memref<79x128xi32, #tpu.memory_space<hbm>>
      tpu.wait_dma2 semaphore(%run_scoped3A : memref<!tpu.dma_semaphore, #tpu.memory_space<semaphore_mem>>) src(%dma_wait3A_25 : memref<79x128xi32, #tpu.memory_space<hbm>>) dst(%arg6 : memref<79x128xi32, #tpu.memory_space<vmem>>)
      tpu.yield
    }) : () -> ()
    "tpu.region"() ({
      %run_scoped3A = tpu.sem_alloc : memref<!tpu.dma_semaphore, #tpu.memory_space<semaphore_mem>>
      tpu.enqueue_dma source(%arg2 : memref<128x16xf32, #tpu.memory_space<hbm>>) target(%arg7 : memref<128x16xf32, #tpu.memory_space<vmem>>) target_semaphore(%run_scoped3A : memref<!tpu.dma_semaphore, #tpu.memory_space<semaphore_mem>>)
      tpu.wait_dma2 semaphore(%run_scoped3A : memref<!tpu.dma_semaphore, #tpu.memory_space<semaphore_mem>>) src(%arg2 : memref<128x16xf32, #tpu.memory_space<hbm>>) dst(%arg7 : memref<128x16xf32, #tpu.memory_space<vmem>>)
      tpu.yield
    }) : () -> ()
    %mul3A_1 = arith.constant 640 : i32
    %mul3A_2 = arith.muli %arg1, %mul3A_1 : i32
    "tpu.region"() ({
      %run_scoped3A = tpu.sem_alloc : memref<!tpu.dma_semaphore, #tpu.memory_space<semaphore_mem>>
      %dma_start3A = arith.constant 0 : i32
      %dma_start3A_12 = tpu.memref_slice %arg8[%mul3A_2, %dma_start3A] : memref<10240x16xf32, #tpu.memory_space<vmem_shared>> -> memref<640x16xf32, #tpu.memory_space<vmem_shared>>
      %dma_start3A_13 = arith.constant 0 : i32
      %dma_start3A_14 = tpu.memref_slice %arg4[%mul3A_2, %dma_start3A_13] : memref<10240x16xf32, #tpu.memory_space<hbm>> -> memref<640x16xf32, #tpu.memory_space<hbm>>
      tpu.enqueue_dma source(%dma_start3A_14 : memref<640x16xf32, #tpu.memory_space<hbm>>) target(%dma_start3A_12 : memref<640x16xf32, #tpu.memory_space<vmem_shared>>) target_semaphore(%run_scoped3A : memref<!tpu.dma_semaphore, #tpu.memory_space<semaphore_mem>>)
      %dma_wait3A = arith.constant 0 : i32
      %dma_wait3A_15 = tpu.memref_slice %arg8[%mul3A_2, %dma_wait3A] : memref<10240x16xf32, #tpu.memory_space<vmem_shared>> -> memref<640x16xf32, #tpu.memory_space<vmem_shared>>
      %dma_wait3A_16 = arith.constant 0 : i32
      %dma_wait3A_17 = tpu.memref_slice %arg4[%mul3A_2, %dma_wait3A_16] : memref<10240x16xf32, #tpu.memory_space<hbm>> -> memref<640x16xf32, #tpu.memory_space<hbm>>
      tpu.wait_dma2 semaphore(%run_scoped3A : memref<!tpu.dma_semaphore, #tpu.memory_space<semaphore_mem>>) src(%dma_wait3A_17 : memref<640x16xf32, #tpu.memory_space<hbm>>) dst(%dma_wait3A_15 : memref<640x16xf32, #tpu.memory_space<vmem_shared>>)
      tpu.yield
    }) : () -> ()
    %barrier3A = arith.constant 0 : index
    tpu.barrier barrier_id(%barrier3A)
    %scan3A = arith.constant 0 : i32
    %scan3A_3 = arith.constant 0 : i32
    %scan3A_4 = arith.constant 79 : i32
    %scan3A_5 = arith.addi %scan3A_3, %scan3A_4 : i32
    %scan3A_6 = arith.constant 1 : i32
    scf.for %scan3A_12 = %scan3A_3 to %scan3A_5 step %scan3A_6  : i32 {
      "tpu.region"() ({
        %run_scoped3A = tpu.sem_alloc : memref<!tpu.dma_semaphore, #tpu.memory_space<semaphore_mem>>
        %dma_start3A = arith.constant 0 : i32
        %dma_start3A_13 = tpu.memref_slice %arg6[%scan3A_12, %dma_start3A] : memref<79x128xi32, #tpu.memory_space<vmem>> -> memref<1x128xi32, #tpu.memory_space<vmem>>
        %dma_start3A_14 = tpu.memref_squeeze %dma_start3A_13 : memref<1x128xi32, #tpu.memory_space<vmem>> -> memref<128xi32, #tpu.memory_space<vmem>>
        %dma_start3A_15 = arith.constant 0 : i32
        %dma_start3A_16 = arith.constant 0 : i32
        %dma_start3A_17 = tpu.memref_slice %arg8[%dma_start3A_15, %dma_start3A_16] : memref<10240x16xf32, #tpu.memory_space<vmem_shared>> -> memref<10240x16xf32, #tpu.memory_space<vmem_shared>>
        tpu.enqueue_indirect_dma source(%arg7 : memref<128x16xf32, #tpu.memory_space<vmem>>) target(%dma_start3A_17 : memref<10240x16xf32, #tpu.memory_space<vmem_shared>>) offsets(%dma_start3A_14 : memref<128xi32, #tpu.memory_space<vmem>>) semaphore(%run_scoped3A : memref<!tpu.dma_semaphore, #tpu.memory_space<semaphore_mem>>) {add = true}
        %dma_wait3A = arith.constant 0 : i32
        %dma_wait3A_18 = tpu.memref_slice %arg6[%scan3A_12, %dma_wait3A] : memref<79x128xi32, #tpu.memory_space<vmem>> -> memref<1x128xi32, #tpu.memory_space<vmem>>
        %dma_wait3A_19 = tpu.memref_squeeze %dma_wait3A_18 : memref<1x128xi32, #tpu.memory_space<vmem>> -> memref<128xi32, #tpu.memory_space<vmem>>
        %dma_wait3A_20 = arith.constant 0 : i32
        %dma_wait3A_21 = arith.constant 0 : i32
        %dma_wait3A_22 = tpu.memref_slice %arg8[%dma_wait3A_20, %dma_wait3A_21] : memref<10240x16xf32, #tpu.memory_space<vmem_shared>> -> memref<10240x16xf32, #tpu.memory_space<vmem_shared>>
        tpu.wait_indirect_dma semaphore(%run_scoped3A : memref<!tpu.dma_semaphore, #tpu.memory_space<semaphore_mem>>) src(%arg7 : memref<128x16xf32, #tpu.memory_space<vmem>>) dst(%dma_wait3A_22 : memref<10240x16xf32, #tpu.memory_space<vmem_shared>>)
        tpu.yield
      }) : () -> ()
    }
    %scan3A_7 = arith.constant 79 : i32
    %barrier3A_8 = arith.constant 0 : index
    tpu.barrier barrier_id(%barrier3A_8)
    %mul3A_9 = arith.constant 10240 : i32
    %mul3A_10 = arith.muli %arg0, %mul3A_9 : i32
    %add3A_11 = arith.addi %mul3A_10, %mul3A_2 : i32
    "tpu.region"() ({
      %run_scoped3A = tpu.sem_alloc : memref<!tpu.dma_semaphore, #tpu.memory_space<semaphore_mem>>
      %dma_start3A = arith.constant 0 : i32
      %dma_start3A_12 = tpu.memref_slice %arg5[%add3A_11, %dma_start3A] : memref<20480x16xf32, #tpu.memory_space<hbm>> -> memref<640x16xf32, #tpu.memory_space<hbm>>
      %dma_start3A_13 = arith.constant 0 : i32
      %dma_start3A_14 = tpu.memref_slice %arg8[%mul3A_2, %dma_start3A_13] : memref<10240x16xf32, #tpu.memory_space<vmem_shared>> -> memref<640x16xf32, #tpu.memory_space<vmem_shared>>
      tpu.enqueue_dma source(%dma_start3A_14 : memref<640x16xf32, #tpu.memory_space<vmem_shared>>) target(%dma_start3A_12 : memref<640x16xf32, #tpu.memory_space<hbm>>) target_semaphore(%run_scoped3A : memref<!tpu.dma_semaphore, #tpu.memory_space<semaphore_mem>>)
      %dma_wait3A = arith.constant 0 : i32
      %dma_wait3A_15 = tpu.memref_slice %arg5[%add3A_11, %dma_wait3A] : memref<20480x16xf32, #tpu.memory_space<hbm>> -> memref<640x16xf32, #tpu.memory_space<hbm>>
      %dma_wait3A_16 = arith.constant 0 : i32
      %dma_wait3A_17 = tpu.memref_slice %arg8[%mul3A_2, %dma_wait3A_16] : memref<10240x16xf32, #tpu.memory_space<vmem_shared>> -> memref<640x16xf32, #tpu.memory_space<vmem_shared>>
      tpu.wait_dma2 semaphore(%run_scoped3A : memref<!tpu.dma_semaphore, #tpu.memory_space<semaphore_mem>>) src(%dma_wait3A_17 : memref<640x16xf32, #tpu.memory_space<vmem_shared>>) dst(%dma_wait3A_15 : memref<640x16xf32, #tpu.memory_space<hbm>>)
      tpu.yield
    }) : () -> ()
    return
  }
}

#map = affine_map<(d0, d1) -> (0, 0)>
#map1 = affine_map<(d0, d1) -> (0, 0, 0)>
module attributes {stable_mosaic.version = 14 : i64} {
  func.func @k(%arg0: i32, %arg1: i32, %arg2: memref<10240x128xf32, #tpu.memory_space<hbm>>, %arg3: memref<32x79x128xi32, #tpu.memory_space<hbm>>, %arg4: memref<32x79x128xi32, #tpu.memory_space<hbm>>, %arg5: memref<10240x128xf32, #tpu.memory_space<hbm>>, %arg6: memref<20480x128xf32, #tpu.memory_space<hbm>>, %arg7: memref<79x128xi32, #tpu.memory_space<vmem>>, %arg8: memref<79x128xi32, #tpu.memory_space<vmem>>, %arg9: memref<128x128xf32, #tpu.memory_space<vmem>>, %arg10: memref<10240x128xf32, #tpu.memory_space<vmem_shared>>) attributes {dimension_semantics = [#tpu.dimension_semantics<core_parallel>, #tpu.dimension_semantics<subcore_parallel>], iteration_bounds = array<i64: 2, 16>, scalar_prefetch = 0 : i64, scratch_operands = 4 : i64, tpu.core_type = #tpu.core_type<sc_vector_subcore>, window_params = [{transform_indices = #map}, {transform_indices = #map1}, {transform_indices = #map1}, {transform_indices = #map}, {transform_indices = #map}]} {
    %mul3A = arith.constant 16 : i32
    %mul3A_0 = arith.muli %arg0, %mul3A : i32
    %add3A = arith.addi %mul3A_0, %arg1 : i32
    "tpu.region"() ({
      %run_scoped3A = tpu.sem_alloc : memref<!tpu.dma_semaphore, #tpu.memory_space<semaphore_mem>>
      %dma_start3A = arith.constant 0 : i32
      %dma_start3A_12 = arith.constant 0 : i32
      %dma_start3A_13 = tpu.memref_slice %arg3[%add3A, %dma_start3A, %dma_start3A_12] : memref<32x79x128xi32, #tpu.memory_space<hbm>> -> memref<1x79x128xi32, #tpu.memory_space<hbm>>
      %dma_start3A_14 = tpu.memref_squeeze %dma_start3A_13 : memref<1x79x128xi32, #tpu.memory_space<hbm>> -> memref<79x128xi32, #tpu.memory_space<hbm>>
      %dma_start3A_15 = arith.constant 0 : i32
      %dma_start3A_16 = arith.constant 0 : i32
      %dma_start3A_17 = tpu.memref_slice %arg3[%add3A, %dma_start3A_15, %dma_start3A_16] : memref<32x79x128xi32, #tpu.memory_space<hbm>> -> memref<1x79x128xi32, #tpu.memory_space<hbm>>
      %dma_start3A_18 = tpu.memref_squeeze %dma_start3A_17 : memref<1x79x128xi32, #tpu.memory_space<hbm>> -> memref<79x128xi32, #tpu.memory_space<hbm>>
      tpu.enqueue_dma source(%dma_start3A_18 : memref<79x128xi32, #tpu.memory_space<hbm>>) target(%arg7 : memref<79x128xi32, #tpu.memory_space<vmem>>) target_semaphore(%run_scoped3A : memref<!tpu.dma_semaphore, #tpu.memory_space<semaphore_mem>>)
      %dma_wait3A = arith.constant 0 : i32
      %dma_wait3A_19 = arith.constant 0 : i32
      %dma_wait3A_20 = tpu.memref_slice %arg3[%add3A, %dma_wait3A, %dma_wait3A_19] : memref<32x79x128xi32, #tpu.memory_space<hbm>> -> memref<1x79x128xi32, #tpu.memory_space<hbm>>
      %dma_wait3A_21 = tpu.memref_squeeze %dma_wait3A_20 : memref<1x79x128xi32, #tpu.memory_space<hbm>> -> memref<79x128xi32, #tpu.memory_space<hbm>>
      %dma_wait3A_22 = arith.constant 0 : i32
      %dma_wait3A_23 = arith.constant 0 : i32
      %dma_wait3A_24 = tpu.memref_slice %arg3[%add3A, %dma_wait3A_22, %dma_wait3A_23] : memref<32x79x128xi32, #tpu.memory_space<hbm>> -> memref<1x79x128xi32, #tpu.memory_space<hbm>>
      %dma_wait3A_25 = tpu.memref_squeeze %dma_wait3A_24 : memref<1x79x128xi32, #tpu.memory_space<hbm>> -> memref<79x128xi32, #tpu.memory_space<hbm>>
      tpu.wait_dma2 semaphore(%run_scoped3A : memref<!tpu.dma_semaphore, #tpu.memory_space<semaphore_mem>>) src(%dma_wait3A_25 : memref<79x128xi32, #tpu.memory_space<hbm>>) dst(%arg7 : memref<79x128xi32, #tpu.memory_space<vmem>>)
      tpu.yield
    }) : () -> ()
    "tpu.region"() ({
      %run_scoped3A = tpu.sem_alloc : memref<!tpu.dma_semaphore, #tpu.memory_space<semaphore_mem>>
      %dma_start3A = arith.constant 0 : i32
      %dma_start3A_12 = arith.constant 0 : i32
      %dma_start3A_13 = tpu.memref_slice %arg4[%add3A, %dma_start3A, %dma_start3A_12] : memref<32x79x128xi32, #tpu.memory_space<hbm>> -> memref<1x79x128xi32, #tpu.memory_space<hbm>>
      %dma_start3A_14 = tpu.memref_squeeze %dma_start3A_13 : memref<1x79x128xi32, #tpu.memory_space<hbm>> -> memref<79x128xi32, #tpu.memory_space<hbm>>
      %dma_start3A_15 = arith.constant 0 : i32
      %dma_start3A_16 = arith.constant 0 : i32
      %dma_start3A_17 = tpu.memref_slice %arg4[%add3A, %dma_start3A_15, %dma_start3A_16] : memref<32x79x128xi32, #tpu.memory_space<hbm>> -> memref<1x79x128xi32, #tpu.memory_space<hbm>>
      %dma_start3A_18 = tpu.memref_squeeze %dma_start3A_17 : memref<1x79x128xi32, #tpu.memory_space<hbm>> -> memref<79x128xi32, #tpu.memory_space<hbm>>
      tpu.enqueue_dma source(%dma_start3A_18 : memref<79x128xi32, #tpu.memory_space<hbm>>) target(%arg8 : memref<79x128xi32, #tpu.memory_space<vmem>>) target_semaphore(%run_scoped3A : memref<!tpu.dma_semaphore, #tpu.memory_space<semaphore_mem>>)
      %dma_wait3A = arith.constant 0 : i32
      %dma_wait3A_19 = arith.constant 0 : i32
      %dma_wait3A_20 = tpu.memref_slice %arg4[%add3A, %dma_wait3A, %dma_wait3A_19] : memref<32x79x128xi32, #tpu.memory_space<hbm>> -> memref<1x79x128xi32, #tpu.memory_space<hbm>>
      %dma_wait3A_21 = tpu.memref_squeeze %dma_wait3A_20 : memref<1x79x128xi32, #tpu.memory_space<hbm>> -> memref<79x128xi32, #tpu.memory_space<hbm>>
      %dma_wait3A_22 = arith.constant 0 : i32
      %dma_wait3A_23 = arith.constant 0 : i32
      %dma_wait3A_24 = tpu.memref_slice %arg4[%add3A, %dma_wait3A_22, %dma_wait3A_23] : memref<32x79x128xi32, #tpu.memory_space<hbm>> -> memref<1x79x128xi32, #tpu.memory_space<hbm>>
      %dma_wait3A_25 = tpu.memref_squeeze %dma_wait3A_24 : memref<1x79x128xi32, #tpu.memory_space<hbm>> -> memref<79x128xi32, #tpu.memory_space<hbm>>
      tpu.wait_dma2 semaphore(%run_scoped3A : memref<!tpu.dma_semaphore, #tpu.memory_space<semaphore_mem>>) src(%dma_wait3A_25 : memref<79x128xi32, #tpu.memory_space<hbm>>) dst(%arg8 : memref<79x128xi32, #tpu.memory_space<vmem>>)
      tpu.yield
    }) : () -> ()
    %mul3A_1 = arith.constant 640 : i32
    %mul3A_2 = arith.muli %arg1, %mul3A_1 : i32
    "tpu.region"() ({
      %run_scoped3A = tpu.sem_alloc : memref<!tpu.dma_semaphore, #tpu.memory_space<semaphore_mem>>
      %dma_start3A = arith.constant 0 : i32
      %dma_start3A_12 = tpu.memref_slice %arg10[%mul3A_2, %dma_start3A] : memref<10240x128xf32, #tpu.memory_space<vmem_shared>> -> memref<640x128xf32, #tpu.memory_space<vmem_shared>>
      %dma_start3A_13 = arith.constant 0 : i32
      %dma_start3A_14 = tpu.memref_slice %arg5[%mul3A_2, %dma_start3A_13] : memref<10240x128xf32, #tpu.memory_space<hbm>> -> memref<640x128xf32, #tpu.memory_space<hbm>>
      tpu.enqueue_dma source(%dma_start3A_14 : memref<640x128xf32, #tpu.memory_space<hbm>>) target(%dma_start3A_12 : memref<640x128xf32, #tpu.memory_space<vmem_shared>>) target_semaphore(%run_scoped3A : memref<!tpu.dma_semaphore, #tpu.memory_space<semaphore_mem>>)
      %dma_wait3A = arith.constant 0 : i32
      %dma_wait3A_15 = tpu.memref_slice %arg10[%mul3A_2, %dma_wait3A] : memref<10240x128xf32, #tpu.memory_space<vmem_shared>> -> memref<640x128xf32, #tpu.memory_space<vmem_shared>>
      %dma_wait3A_16 = arith.constant 0 : i32
      %dma_wait3A_17 = tpu.memref_slice %arg5[%mul3A_2, %dma_wait3A_16] : memref<10240x128xf32, #tpu.memory_space<hbm>> -> memref<640x128xf32, #tpu.memory_space<hbm>>
      tpu.wait_dma2 semaphore(%run_scoped3A : memref<!tpu.dma_semaphore, #tpu.memory_space<semaphore_mem>>) src(%dma_wait3A_17 : memref<640x128xf32, #tpu.memory_space<hbm>>) dst(%dma_wait3A_15 : memref<640x128xf32, #tpu.memory_space<vmem_shared>>)
      tpu.yield
    }) : () -> ()
    %barrier3A = arith.constant 0 : index
    tpu.barrier barrier_id(%barrier3A)
    %scan3A = arith.constant 0 : i32
    %scan3A_3 = arith.constant 0 : i32
    %scan3A_4 = arith.constant 79 : i32
    %scan3A_5 = arith.addi %scan3A_3, %scan3A_4 : i32
    %scan3A_6 = arith.constant 1 : i32
    scf.for %scan3A_12 = %scan3A_3 to %scan3A_5 step %scan3A_6  : i32 {
      "tpu.region"() ({
        %run_scoped3A = tpu.sem_alloc : memref<!tpu.dma_semaphore, #tpu.memory_space<semaphore_mem>>
        %dma_start3A = arith.constant 0 : i32
        %dma_start3A_13 = tpu.memref_slice %arg7[%scan3A_12, %dma_start3A] : memref<79x128xi32, #tpu.memory_space<vmem>> -> memref<1x128xi32, #tpu.memory_space<vmem>>
        %dma_start3A_14 = tpu.memref_squeeze %dma_start3A_13 : memref<1x128xi32, #tpu.memory_space<vmem>> -> memref<128xi32, #tpu.memory_space<vmem>>
        %dma_start3A_15 = arith.constant 0 : i32
        %dma_start3A_16 = arith.constant 0 : i32
        %dma_start3A_17 = tpu.memref_slice %arg2[%dma_start3A_15, %dma_start3A_16] : memref<10240x128xf32, #tpu.memory_space<hbm>> -> memref<10240x128xf32, #tpu.memory_space<hbm>>
        tpu.enqueue_indirect_dma source(%dma_start3A_17 : memref<10240x128xf32, #tpu.memory_space<hbm>>) target(%arg9 : memref<128x128xf32, #tpu.memory_space<vmem>>) offsets(%dma_start3A_14 : memref<128xi32, #tpu.memory_space<vmem>>) semaphore(%run_scoped3A : memref<!tpu.dma_semaphore, #tpu.memory_space<semaphore_mem>>)
        %dma_wait3A = arith.constant 0 : i32
        %dma_wait3A_18 = tpu.memref_slice %arg7[%scan3A_12, %dma_wait3A] : memref<79x128xi32, #tpu.memory_space<vmem>> -> memref<1x128xi32, #tpu.memory_space<vmem>>
        %dma_wait3A_19 = tpu.memref_squeeze %dma_wait3A_18 : memref<1x128xi32, #tpu.memory_space<vmem>> -> memref<128xi32, #tpu.memory_space<vmem>>
        %dma_wait3A_20 = arith.constant 0 : i32
        %dma_wait3A_21 = arith.constant 0 : i32
        %dma_wait3A_22 = tpu.memref_slice %arg2[%dma_wait3A_20, %dma_wait3A_21] : memref<10240x128xf32, #tpu.memory_space<hbm>> -> memref<10240x128xf32, #tpu.memory_space<hbm>>
        tpu.wait_indirect_dma semaphore(%run_scoped3A : memref<!tpu.dma_semaphore, #tpu.memory_space<semaphore_mem>>) src(%dma_wait3A_22 : memref<10240x128xf32, #tpu.memory_space<hbm>>) dst(%arg9 : memref<128x128xf32, #tpu.memory_space<vmem>>)
        tpu.yield
      }) : () -> ()
      "tpu.region"() ({
        %run_scoped3A = tpu.sem_alloc : memref<!tpu.dma_semaphore, #tpu.memory_space<semaphore_mem>>
        %dma_start3A = arith.constant 0 : i32
        %dma_start3A_13 = tpu.memref_slice %arg8[%scan3A_12, %dma_start3A] : memref<79x128xi32, #tpu.memory_space<vmem>> -> memref<1x128xi32, #tpu.memory_space<vmem>>
        %dma_start3A_14 = tpu.memref_squeeze %dma_start3A_13 : memref<1x128xi32, #tpu.memory_space<vmem>> -> memref<128xi32, #tpu.memory_space<vmem>>
        %dma_start3A_15 = arith.constant 0 : i32
        %dma_start3A_16 = arith.constant 0 : i32
        %dma_start3A_17 = tpu.memref_slice %arg10[%dma_start3A_15, %dma_start3A_16] : memref<10240x128xf32, #tpu.memory_space<vmem_shared>> -> memref<10240x128xf32, #tpu.memory_space<vmem_shared>>
        tpu.enqueue_indirect_dma source(%arg9 : memref<128x128xf32, #tpu.memory_space<vmem>>) target(%dma_start3A_17 : memref<10240x128xf32, #tpu.memory_space<vmem_shared>>) offsets(%dma_start3A_14 : memref<128xi32, #tpu.memory_space<vmem>>) semaphore(%run_scoped3A : memref<!tpu.dma_semaphore, #tpu.memory_space<semaphore_mem>>) {add = true}
        %dma_wait3A = arith.constant 0 : i32
        %dma_wait3A_18 = tpu.memref_slice %arg8[%scan3A_12, %dma_wait3A] : memref<79x128xi32, #tpu.memory_space<vmem>> -> memref<1x128xi32, #tpu.memory_space<vmem>>
        %dma_wait3A_19 = tpu.memref_squeeze %dma_wait3A_18 : memref<1x128xi32, #tpu.memory_space<vmem>> -> memref<128xi32, #tpu.memory_space<vmem>>
        %dma_wait3A_20 = arith.constant 0 : i32
        %dma_wait3A_21 = arith.constant 0 : i32
        %dma_wait3A_22 = tpu.memref_slice %arg10[%dma_wait3A_20, %dma_wait3A_21] : memref<10240x128xf32, #tpu.memory_space<vmem_shared>> -> memref<10240x128xf32, #tpu.memory_space<vmem_shared>>
        tpu.wait_indirect_dma semaphore(%run_scoped3A : memref<!tpu.dma_semaphore, #tpu.memory_space<semaphore_mem>>) src(%arg9 : memref<128x128xf32, #tpu.memory_space<vmem>>) dst(%dma_wait3A_22 : memref<10240x128xf32, #tpu.memory_space<vmem_shared>>)
        tpu.yield
      }) : () -> ()
    }
    %scan3A_7 = arith.constant 79 : i32
    %barrier3A_8 = arith.constant 0 : index
    tpu.barrier barrier_id(%barrier3A_8)
    %mul3A_9 = arith.constant 10240 : i32
    %mul3A_10 = arith.muli %arg0, %mul3A_9 : i32
    %add3A_11 = arith.addi %mul3A_10, %mul3A_2 : i32
    "tpu.region"() ({
      %run_scoped3A = tpu.sem_alloc : memref<!tpu.dma_semaphore, #tpu.memory_space<semaphore_mem>>
      %dma_start3A = arith.constant 0 : i32
      %dma_start3A_12 = tpu.memref_slice %arg6[%add3A_11, %dma_start3A] : memref<20480x128xf32, #tpu.memory_space<hbm>> -> memref<640x128xf32, #tpu.memory_space<hbm>>
      %dma_start3A_13 = arith.constant 0 : i32
      %dma_start3A_14 = tpu.memref_slice %arg10[%mul3A_2, %dma_start3A_13] : memref<10240x128xf32, #tpu.memory_space<vmem_shared>> -> memref<640x128xf32, #tpu.memory_space<vmem_shared>>
      tpu.enqueue_dma source(%dma_start3A_14 : memref<640x128xf32, #tpu.memory_space<vmem_shared>>) target(%dma_start3A_12 : memref<640x128xf32, #tpu.memory_space<hbm>>) target_semaphore(%run_scoped3A : memref<!tpu.dma_semaphore, #tpu.memory_space<semaphore_mem>>)
      %dma_wait3A = arith.constant 0 : i32
      %dma_wait3A_15 = tpu.memref_slice %arg6[%add3A_11, %dma_wait3A] : memref<20480x128xf32, #tpu.memory_space<hbm>> -> memref<640x128xf32, #tpu.memory_space<hbm>>
      %dma_wait3A_16 = arith.constant 0 : i32
      %dma_wait3A_17 = tpu.memref_slice %arg10[%mul3A_2, %dma_wait3A_16] : memref<10240x128xf32, #tpu.memory_space<vmem_shared>> -> memref<640x128xf32, #tpu.memory_space<vmem_shared>>
      tpu.wait_dma2 semaphore(%run_scoped3A : memref<!tpu.dma_semaphore, #tpu.memory_space<semaphore_mem>>) src(%dma_wait3A_17 : memref<640x128xf32, #tpu.memory_space<vmem_shared>>) dst(%dma_wait3A_15 : memref<640x128xf32, #tpu.memory_space<hbm>>)
      tpu.yield
    }) : () -> ()
    return
  }
}

#map = affine_map<(d0, d1) -> (0, 0)>
#map1 = affine_map<(d0, d1) -> (0, 0, 0)>
module attributes {stable_mosaic.version = 14 : i64} {
  func.func @k(%arg0: i32, %arg1: i32, %arg2: memref<10240x128xf32, #tpu.memory_space<hbm>>, %arg3: memref<32x79x128xi32, #tpu.memory_space<hbm>>, %arg4: memref<32x79x128xi32, #tpu.memory_space<hbm>>, %arg5: memref<10240x128xf32, #tpu.memory_space<hbm>>, %arg6: memref<20480x128xf32, #tpu.memory_space<hbm>>, %arg7: memref<79x128xi32, #tpu.memory_space<vmem>>, %arg8: memref<79x128xi32, #tpu.memory_space<vmem>>, %arg9: memref<128x128xf32, #tpu.memory_space<vmem>>, %arg10: memref<10240x128xf32, #tpu.memory_space<vmem_shared>>) attributes {dimension_semantics = [#tpu.dimension_semantics<core_parallel>, #tpu.dimension_semantics<subcore_parallel>], iteration_bounds = array<i64: 2, 16>, scalar_prefetch = 0 : i64, scratch_operands = 4 : i64, tpu.core_type = #tpu.core_type<sc_vector_subcore>, window_params = [{transform_indices = #map}, {transform_indices = #map1}, {transform_indices = #map1}, {transform_indices = #map}, {transform_indices = #map}]} {
    %mul3A = arith.constant 16 : i32
    %mul3A_0 = arith.muli %arg0, %mul3A : i32
    %add3A = arith.addi %mul3A_0, %arg1 : i32
    "tpu.region"() ({
      %run_scoped3A = tpu.sem_alloc : memref<!tpu.dma_semaphore, #tpu.memory_space<semaphore_mem>>
      %dma_start3A = arith.constant 0 : i32
      %dma_start3A_12 = arith.constant 0 : i32
      %dma_start3A_13 = tpu.memref_slice %arg3[%add3A, %dma_start3A, %dma_start3A_12] : memref<32x79x128xi32, #tpu.memory_space<hbm>> -> memref<1x79x128xi32, #tpu.memory_space<hbm>>
      %dma_start3A_14 = tpu.memref_squeeze %dma_start3A_13 : memref<1x79x128xi32, #tpu.memory_space<hbm>> -> memref<79x128xi32, #tpu.memory_space<hbm>>
      %dma_start3A_15 = arith.constant 0 : i32
      %dma_start3A_16 = arith.constant 0 : i32
      %dma_start3A_17 = tpu.memref_slice %arg3[%add3A, %dma_start3A_15, %dma_start3A_16] : memref<32x79x128xi32, #tpu.memory_space<hbm>> -> memref<1x79x128xi32, #tpu.memory_space<hbm>>
      %dma_start3A_18 = tpu.memref_squeeze %dma_start3A_17 : memref<1x79x128xi32, #tpu.memory_space<hbm>> -> memref<79x128xi32, #tpu.memory_space<hbm>>
      tpu.enqueue_dma source(%dma_start3A_18 : memref<79x128xi32, #tpu.memory_space<hbm>>) target(%arg7 : memref<79x128xi32, #tpu.memory_space<vmem>>) target_semaphore(%run_scoped3A : memref<!tpu.dma_semaphore, #tpu.memory_space<semaphore_mem>>)
      %dma_wait3A = arith.constant 0 : i32
      %dma_wait3A_19 = arith.constant 0 : i32
      %dma_wait3A_20 = tpu.memref_slice %arg3[%add3A, %dma_wait3A, %dma_wait3A_19] : memref<32x79x128xi32, #tpu.memory_space<hbm>> -> memref<1x79x128xi32, #tpu.memory_space<hbm>>
      %dma_wait3A_21 = tpu.memref_squeeze %dma_wait3A_20 : memref<1x79x128xi32, #tpu.memory_space<hbm>> -> memref<79x128xi32, #tpu.memory_space<hbm>>
      %dma_wait3A_22 = arith.constant 0 : i32
      %dma_wait3A_23 = arith.constant 0 : i32
      %dma_wait3A_24 = tpu.memref_slice %arg3[%add3A, %dma_wait3A_22, %dma_wait3A_23] : memref<32x79x128xi32, #tpu.memory_space<hbm>> -> memref<1x79x128xi32, #tpu.memory_space<hbm>>
      %dma_wait3A_25 = tpu.memref_squeeze %dma_wait3A_24 : memref<1x79x128xi32, #tpu.memory_space<hbm>> -> memref<79x128xi32, #tpu.memory_space<hbm>>
      tpu.wait_dma2 semaphore(%run_scoped3A : memref<!tpu.dma_semaphore, #tpu.memory_space<semaphore_mem>>) src(%dma_wait3A_25 : memref<79x128xi32, #tpu.memory_space<hbm>>) dst(%arg7 : memref<79x128xi32, #tpu.memory_space<vmem>>)
      tpu.yield
    }) : () -> ()
    "tpu.region"() ({
      %run_scoped3A = tpu.sem_alloc : memref<!tpu.dma_semaphore, #tpu.memory_space<semaphore_mem>>
      %dma_start3A = arith.constant 0 : i32
      %dma_start3A_12 = arith.constant 0 : i32
      %dma_start3A_13 = tpu.memref_slice %arg4[%add3A, %dma_start3A, %dma_start3A_12] : memref<32x79x128xi32, #tpu.memory_space<hbm>> -> memref<1x79x128xi32, #tpu.memory_space<hbm>>
      %dma_start3A_14 = tpu.memref_squeeze %dma_start3A_13 : memref<1x79x128xi32, #tpu.memory_space<hbm>> -> memref<79x128xi32, #tpu.memory_space<hbm>>
      %dma_start3A_15 = arith.constant 0 : i32
      %dma_start3A_16 = arith.constant 0 : i32
      %dma_start3A_17 = tpu.memref_slice %arg4[%add3A, %dma_start3A_15, %dma_start3A_16] : memref<32x79x128xi32, #tpu.memory_space<hbm>> -> memref<1x79x128xi32, #tpu.memory_space<hbm>>
      %dma_start3A_18 = tpu.memref_squeeze %dma_start3A_17 : memref<1x79x128xi32, #tpu.memory_space<hbm>> -> memref<79x128xi32, #tpu.memory_space<hbm>>
      tpu.enqueue_dma source(%dma_start3A_18 : memref<79x128xi32, #tpu.memory_space<hbm>>) target(%arg8 : memref<79x128xi32, #tpu.memory_space<vmem>>) target_semaphore(%run_scoped3A : memref<!tpu.dma_semaphore, #tpu.memory_space<semaphore_mem>>)
      %dma_wait3A = arith.constant 0 : i32
      %dma_wait3A_19 = arith.constant 0 : i32
      %dma_wait3A_20 = tpu.memref_slice %arg4[%add3A, %dma_wait3A, %dma_wait3A_19] : memref<32x79x128xi32, #tpu.memory_space<hbm>> -> memref<1x79x128xi32, #tpu.memory_space<hbm>>
      %dma_wait3A_21 = tpu.memref_squeeze %dma_wait3A_20 : memref<1x79x128xi32, #tpu.memory_space<hbm>> -> memref<79x128xi32, #tpu.memory_space<hbm>>
      %dma_wait3A_22 = arith.constant 0 : i32
      %dma_wait3A_23 = arith.constant 0 : i32
      %dma_wait3A_24 = tpu.memref_slice %arg4[%add3A, %dma_wait3A_22, %dma_wait3A_23] : memref<32x79x128xi32, #tpu.memory_space<hbm>> -> memref<1x79x128xi32, #tpu.memory_space<hbm>>
      %dma_wait3A_25 = tpu.memref_squeeze %dma_wait3A_24 : memref<1x79x128xi32, #tpu.memory_space<hbm>> -> memref<79x128xi32, #tpu.memory_space<hbm>>
      tpu.wait_dma2 semaphore(%run_scoped3A : memref<!tpu.dma_semaphore, #tpu.memory_space<semaphore_mem>>) src(%dma_wait3A_25 : memref<79x128xi32, #tpu.memory_space<hbm>>) dst(%arg8 : memref<79x128xi32, #tpu.memory_space<vmem>>)
      tpu.yield
    }) : () -> ()
    %mul3A_1 = arith.constant 640 : i32
    %mul3A_2 = arith.muli %arg1, %mul3A_1 : i32
    "tpu.region"() ({
      %run_scoped3A = tpu.sem_alloc : memref<!tpu.dma_semaphore, #tpu.memory_space<semaphore_mem>>
      %dma_start3A = arith.constant 0 : i32
      %dma_start3A_12 = tpu.memref_slice %arg10[%mul3A_2, %dma_start3A] : memref<10240x128xf32, #tpu.memory_space<vmem_shared>> -> memref<640x128xf32, #tpu.memory_space<vmem_shared>>
      %dma_start3A_13 = arith.constant 0 : i32
      %dma_start3A_14 = tpu.memref_slice %arg5[%mul3A_2, %dma_start3A_13] : memref<10240x128xf32, #tpu.memory_space<hbm>> -> memref<640x128xf32, #tpu.memory_space<hbm>>
      tpu.enqueue_dma source(%dma_start3A_14 : memref<640x128xf32, #tpu.memory_space<hbm>>) target(%dma_start3A_12 : memref<640x128xf32, #tpu.memory_space<vmem_shared>>) target_semaphore(%run_scoped3A : memref<!tpu.dma_semaphore, #tpu.memory_space<semaphore_mem>>)
      %dma_wait3A = arith.constant 0 : i32
      %dma_wait3A_15 = tpu.memref_slice %arg10[%mul3A_2, %dma_wait3A] : memref<10240x128xf32, #tpu.memory_space<vmem_shared>> -> memref<640x128xf32, #tpu.memory_space<vmem_shared>>
      %dma_wait3A_16 = arith.constant 0 : i32
      %dma_wait3A_17 = tpu.memref_slice %arg5[%mul3A_2, %dma_wait3A_16] : memref<10240x128xf32, #tpu.memory_space<hbm>> -> memref<640x128xf32, #tpu.memory_space<hbm>>
      tpu.wait_dma2 semaphore(%run_scoped3A : memref<!tpu.dma_semaphore, #tpu.memory_space<semaphore_mem>>) src(%dma_wait3A_17 : memref<640x128xf32, #tpu.memory_space<hbm>>) dst(%dma_wait3A_15 : memref<640x128xf32, #tpu.memory_space<vmem_shared>>)
      tpu.yield
    }) : () -> ()
    %barrier3A = arith.constant 0 : index
    tpu.barrier barrier_id(%barrier3A)
    %scan3A = arith.constant 0 : i32
    %scan3A_3 = arith.constant 0 : i32
    %scan3A_4 = arith.constant 79 : i32
    %scan3A_5 = arith.addi %scan3A_3, %scan3A_4 : i32
    %scan3A_6 = arith.constant 1 : i32
    scf.for %scan3A_12 = %scan3A_3 to %scan3A_5 step %scan3A_6  : i32 {
      "tpu.region"() ({
        %run_scoped3A = tpu.sem_alloc : memref<!tpu.dma_semaphore, #tpu.memory_space<semaphore_mem>>
        %dma_start3A = arith.constant 0 : i32
        %dma_start3A_13 = tpu.memref_slice %arg7[%scan3A_12, %dma_start3A] : memref<79x128xi32, #tpu.memory_space<vmem>> -> memref<1x128xi32, #tpu.memory_space<vmem>>
        %dma_start3A_14 = tpu.memref_squeeze %dma_start3A_13 : memref<1x128xi32, #tpu.memory_space<vmem>> -> memref<128xi32, #tpu.memory_space<vmem>>
        %dma_start3A_15 = arith.constant 0 : i32
        %dma_start3A_16 = arith.constant 0 : i32
        %dma_start3A_17 = tpu.memref_slice %arg2[%dma_start3A_15, %dma_start3A_16] : memref<10240x128xf32, #tpu.memory_space<hbm>> -> memref<10240x128xf32, #tpu.memory_space<hbm>>
        tpu.enqueue_indirect_dma source(%dma_start3A_17 : memref<10240x128xf32, #tpu.memory_space<hbm>>) target(%arg9 : memref<128x128xf32, #tpu.memory_space<vmem>>) offsets(%dma_start3A_14 : memref<128xi32, #tpu.memory_space<vmem>>) semaphore(%run_scoped3A : memref<!tpu.dma_semaphore, #tpu.memory_space<semaphore_mem>>)
        %dma_wait3A = arith.constant 0 : i32
        %dma_wait3A_18 = tpu.memref_slice %arg7[%scan3A_12, %dma_wait3A] : memref<79x128xi32, #tpu.memory_space<vmem>> -> memref<1x128xi32, #tpu.memory_space<vmem>>
        %dma_wait3A_19 = tpu.memref_squeeze %dma_wait3A_18 : memref<1x128xi32, #tpu.memory_space<vmem>> -> memref<128xi32, #tpu.memory_space<vmem>>
        %dma_wait3A_20 = arith.constant 0 : i32
        %dma_wait3A_21 = arith.constant 0 : i32
        %dma_wait3A_22 = tpu.memref_slice %arg2[%dma_wait3A_20, %dma_wait3A_21] : memref<10240x128xf32, #tpu.memory_space<hbm>> -> memref<10240x128xf32, #tpu.memory_space<hbm>>
        tpu.wait_indirect_dma semaphore(%run_scoped3A : memref<!tpu.dma_semaphore, #tpu.memory_space<semaphore_mem>>) src(%dma_wait3A_22 : memref<10240x128xf32, #tpu.memory_space<hbm>>) dst(%arg9 : memref<128x128xf32, #tpu.memory_space<vmem>>)
        tpu.yield
      }) : () -> ()
      "tpu.region"() ({
        %run_scoped3A = tpu.sem_alloc : memref<!tpu.dma_semaphore, #tpu.memory_space<semaphore_mem>>
        %dma_start3A = arith.constant 0 : i32
        %dma_start3A_13 = tpu.memref_slice %arg8[%scan3A_12, %dma_start3A] : memref<79x128xi32, #tpu.memory_space<vmem>> -> memref<1x128xi32, #tpu.memory_space<vmem>>
        %dma_start3A_14 = tpu.memref_squeeze %dma_start3A_13 : memref<1x128xi32, #tpu.memory_space<vmem>> -> memref<128xi32, #tpu.memory_space<vmem>>
        %dma_start3A_15 = arith.constant 0 : i32
        %dma_start3A_16 = arith.constant 0 : i32
        %dma_start3A_17 = tpu.memref_slice %arg10[%dma_start3A_15, %dma_start3A_16] : memref<10240x128xf32, #tpu.memory_space<vmem_shared>> -> memref<10240x128xf32, #tpu.memory_space<vmem_shared>>
        tpu.enqueue_indirect_dma source(%arg9 : memref<128x128xf32, #tpu.memory_space<vmem>>) target(%dma_start3A_17 : memref<10240x128xf32, #tpu.memory_space<vmem_shared>>) offsets(%dma_start3A_14 : memref<128xi32, #tpu.memory_space<vmem>>) semaphore(%run_scoped3A : memref<!tpu.dma_semaphore, #tpu.memory_space<semaphore_mem>>) {add = true}
        %dma_wait3A = arith.constant 0 : i32
        %dma_wait3A_18 = tpu.memref_slice %arg8[%scan3A_12, %dma_wait3A] : memref<79x128xi32, #tpu.memory_space<vmem>> -> memref<1x128xi32, #tpu.memory_space<vmem>>
        %dma_wait3A_19 = tpu.memref_squeeze %dma_wait3A_18 : memref<1x128xi32, #tpu.memory_space<vmem>> -> memref<128xi32, #tpu.memory_space<vmem>>
        %dma_wait3A_20 = arith.constant 0 : i32
        %dma_wait3A_21 = arith.constant 0 : i32
        %dma_wait3A_22 = tpu.memref_slice %arg10[%dma_wait3A_20, %dma_wait3A_21] : memref<10240x128xf32, #tpu.memory_space<vmem_shared>> -> memref<10240x128xf32, #tpu.memory_space<vmem_shared>>
        tpu.wait_indirect_dma semaphore(%run_scoped3A : memref<!tpu.dma_semaphore, #tpu.memory_space<semaphore_mem>>) src(%arg9 : memref<128x128xf32, #tpu.memory_space<vmem>>) dst(%dma_wait3A_22 : memref<10240x128xf32, #tpu.memory_space<vmem_shared>>)
        tpu.yield
      }) : () -> ()
    }
    %scan3A_7 = arith.constant 79 : i32
    %barrier3A_8 = arith.constant 0 : index
    tpu.barrier barrier_id(%barrier3A_8)
    %mul3A_9 = arith.constant 10240 : i32
    %mul3A_10 = arith.muli %arg0, %mul3A_9 : i32
    %add3A_11 = arith.addi %mul3A_10, %mul3A_2 : i32
    "tpu.region"() ({
      %run_scoped3A = tpu.sem_alloc : memref<!tpu.dma_semaphore, #tpu.memory_space<semaphore_mem>>
      %dma_start3A = arith.constant 0 : i32
      %dma_start3A_12 = tpu.memref_slice %arg6[%add3A_11, %dma_start3A] : memref<20480x128xf32, #tpu.memory_space<hbm>> -> memref<640x128xf32, #tpu.memory_space<hbm>>
      %dma_start3A_13 = arith.constant 0 : i32
      %dma_start3A_14 = tpu.memref_slice %arg10[%mul3A_2, %dma_start3A_13] : memref<10240x128xf32, #tpu.memory_space<vmem_shared>> -> memref<640x128xf32, #tpu.memory_space<vmem_shared>>
      tpu.enqueue_dma source(%dma_start3A_14 : memref<640x128xf32, #tpu.memory_space<vmem_shared>>) target(%dma_start3A_12 : memref<640x128xf32, #tpu.memory_space<hbm>>) target_semaphore(%run_scoped3A : memref<!tpu.dma_semaphore, #tpu.memory_space<semaphore_mem>>)
      %dma_wait3A = arith.constant 0 : i32
      %dma_wait3A_15 = tpu.memref_slice %arg6[%add3A_11, %dma_wait3A] : memref<20480x128xf32, #tpu.memory_space<hbm>> -> memref<640x128xf32, #tpu.memory_space<hbm>>
      %dma_wait3A_16 = arith.constant 0 : i32
      %dma_wait3A_17 = tpu.memref_slice %arg10[%mul3A_2, %dma_wait3A_16] : memref<10240x128xf32, #tpu.memory_space<vmem_shared>> -> memref<640x128xf32, #tpu.memory_space<vmem_shared>>
      tpu.wait_dma2 semaphore(%run_scoped3A : memref<!tpu.dma_semaphore, #tpu.memory_space<semaphore_mem>>) src(%dma_wait3A_17 : memref<640x128xf32, #tpu.memory_space<vmem_shared>>) dst(%dma_wait3A_15 : memref<640x128xf32, #tpu.memory_space<hbm>>)
      tpu.yield
    }) : () -> ()
    return
  }
}

module attributes {stable_mosaic.version = 14 : i64} {
  func.func @_prep_body(%arg0: i32, %arg1: memref<1024x16xf32, #tpu.memory_space<vmem>>, %arg2: memref<1024x16xf32, #tpu.memory_space<vmem>>, %arg3: memref<1024x128xf32, #tpu.memory_space<vmem>>, %arg4: memref<1024x1xf32, #tpu.memory_space<vmem>>, %arg5: memref<1024x128xf32, #tpu.memory_space<vmem>>) attributes {dimension_semantics = [#tpu.dimension_semantics<arbitrary>], iteration_bounds = array<i64: 10>, scalar_prefetch = 0 : i64, scratch_operands = 0 : i64, tpu.core_type = #tpu.core_type<tc>, window_params = [{transform_indices = @transform_0, window_bounds = array<i64: 1024, 16>}, {transform_indices = @transform_1, window_bounds = array<i64: 1024, 16>}, {transform_indices = @transform_2, window_bounds = array<i64: 1024, 128>}, {transform_indices = @transform_3, window_bounds = array<i64: 1024, 1>}, {transform_indices = @transform_4, window_bounds = array<i64: 1024, 128>}]} {
    %get3A = arith.constant 0 : index
    %get3A_0 = arith.constant 0 : index
    %get3A_1 = vector.load %arg1[%get3A, %get3A_0] : memref<1024x16xf32, #tpu.memory_space<vmem>>, vector<1024x1xf32>
    %add3A = arith.constant 1.000000e+00 : f32
    %add3A_2 = vector.broadcast %add3A : f32 to vector<1024x1xf32>
    %add3A_3 = arith.addf %add3A_2, %get3A_1 : vector<1024x1xf32>
    %get3A_4 = arith.constant 0 : index
    %get3A_5 = arith.constant 0 : index
    %get3A_6 = vector.load %arg2[%get3A_4, %get3A_5] : memref<1024x16xf32, #tpu.memory_space<vmem>>, vector<1024x1xf32>
    %add3A_7 = arith.addf %add3A_3, %get3A_6 : vector<1024x1xf32>
    %rsqrt3A = math.rsqrt %add3A_7 : vector<1024x1xf32>
    %swap3A = arith.constant 0 : index
    %swap3A_8 = arith.constant 0 : index
    %swap3A_9 = vector.load %arg4[%swap3A, %swap3A_8] : memref<1024x1xf32, #tpu.memory_space<vmem>>, vector<1024x1xf32>
    tpu.vector_store %arg4[%swap3A, %swap3A_8], %rsqrt3A {strides = array<i32>} : memref<1024x1xf32, #tpu.memory_space<vmem>>, vector<1024x1xf32>,
    %get3A_10 = arith.constant 0 : index
    %get3A_11 = arith.constant 0 : index
    %get3A_12 = vector.load %arg3[%get3A_10, %get3A_11] : memref<1024x128xf32, #tpu.memory_space<vmem>>, vector<1024x128xf32>
    %mul3A = vector.broadcast %rsqrt3A : vector<1024x1xf32> to vector<1024x128xf32>
    %mul3A_13 = arith.mulf %get3A_12, %mul3A : vector<1024x128xf32>
    %swap3A_14 = arith.constant 0 : index
    %swap3A_15 = arith.constant 0 : index
    %swap3A_16 = vector.load %arg5[%swap3A_14, %swap3A_15] : memref<1024x128xf32, #tpu.memory_space<vmem>>, vector<1024x128xf32>
    tpu.vector_store %arg5[%swap3A_14, %swap3A_15], %mul3A_13 {strides = array<i32>} : memref<1024x128xf32, #tpu.memory_space<vmem>>, vector<1024x128xf32>,
    return
  }
  func.func @transform_0(%arg0: i32) -> (i32, i32) {
    %c0_i32 = arith.constant 0 : i32
    %c0_i32_0 = arith.constant 0 : i32
    return %arg0, %c0_i32 : i32, i32
  }
  func.func @transform_1(%arg0: i32) -> (i32, i32) {
    %c0_i32 = arith.constant 0 : i32
    %c0_i32_0 = arith.constant 0 : i32
    return %arg0, %c0_i32 : i32, i32
  }
  func.func @transform_2(%arg0: i32) -> (i32, i32) {
    %c0_i32 = arith.constant 0 : i32
    %c0_i32_0 = arith.constant 0 : i32
    return %arg0, %c0_i32 : i32, i32
  }
  func.func @transform_3(%arg0: i32) -> (i32, i32) {
    %c0_i32 = arith.constant 0 : i32
    %c0_i32_0 = arith.constant 0 : i32
    return %arg0, %c0_i32 : i32, i32
  }
  func.func @transform_4(%arg0: i32) -> (i32, i32) {
    %c0_i32 = arith.constant 0 : i32
    %c0_i32_0 = arith.constant 0 : i32
    return %arg0, %c0_i32 : i32, i32
  }
}

module attributes {stable_mosaic.version = 14 : i64} {
  func.func @_layer1_body(%arg0: i32, %arg1: memref<1024x128xf32, #tpu.memory_space<vmem>>, %arg2: memref<1024x128xf32, #tpu.memory_space<vmem>>, %arg3: memref<1024x128xf32, #tpu.memory_space<vmem>>, %arg4: memref<1024x1xf32, #tpu.memory_space<vmem>>, %arg5: memref<128x128xf32, #tpu.memory_space<vmem>>, %arg6: memref<1x128xf32, #tpu.memory_space<vmem>>, %arg7: memref<1024x128xf32, #tpu.memory_space<vmem>>) attributes {dimension_semantics = [#tpu.dimension_semantics<arbitrary>], iteration_bounds = array<i64: 10>, scalar_prefetch = 0 : i64, scratch_operands = 0 : i64, tpu.core_type = #tpu.core_type<tc>, window_params = [{transform_indices = @transform_0, window_bounds = array<i64: 1024, 128>}, {transform_indices = @transform_1, window_bounds = array<i64: 1024, 128>}, {transform_indices = @transform_2, window_bounds = array<i64: 1024, 128>}, {transform_indices = @transform_3, window_bounds = array<i64: 1024, 1>}, {pipeline_mode = #tpu.pipeline_mode<synchronous>, transform_indices = @transform_4, window_bounds = array<i64: 128, 128>}, {pipeline_mode = #tpu.pipeline_mode<synchronous>, transform_indices = @transform_5, window_bounds = array<i64: 1, 128>}, {transform_indices = @transform_6, window_bounds = array<i64: 1024, 128>}]} {
    %get3A = arith.constant 0 : index
    %get3A_0 = arith.constant 0 : index
    %get3A_1 = vector.load %arg1[%get3A, %get3A_0] : memref<1024x128xf32, #tpu.memory_space<vmem>>, vector<1024x128xf32>
    %get3A_2 = arith.constant 0 : index
    %get3A_3 = arith.constant 0 : index
    %get3A_4 = vector.load %arg2[%get3A_2, %get3A_3] : memref<1024x128xf32, #tpu.memory_space<vmem>>, vector<1024x128xf32>
    %add3A = arith.addf %get3A_1, %get3A_4 : vector<1024x128xf32>
    %get3A_5 = arith.constant 0 : index
    %get3A_6 = arith.constant 0 : index
    %get3A_7 = vector.load %arg3[%get3A_5, %get3A_6] : memref<1024x128xf32, #tpu.memory_space<vmem>>, vector<1024x128xf32>
    %add3A_8 = arith.addf %add3A, %get3A_7 : vector<1024x128xf32>
    %get3A_9 = arith.constant 0 : index
    %get3A_10 = arith.constant 0 : index
    %get3A_11 = vector.load %arg4[%get3A_9, %get3A_10] : memref<1024x1xf32, #tpu.memory_space<vmem>>, vector<1024x1xf32>
    %mul3A = vector.broadcast %get3A_11 : vector<1024x1xf32> to vector<1024x128xf32>
    %mul3A_12 = arith.mulf %add3A_8, %mul3A : vector<1024x128xf32>
    %get3A_13 = arith.constant 0 : index
    %get3A_14 = arith.constant 0 : index
    %get3A_15 = vector.load %arg5[%get3A_13, %get3A_14] : memref<128x128xf32, #tpu.memory_space<vmem>>, vector<128x128xf32>
    %dot_general3A = arith.constant dense<0.000000e+00> : vector<1024x128xf32>
    %dot_general3A_16 = tpu.matmul %mul3A_12, %get3A_15, %dot_general3A {dimension_numbers = #tpu.dot_dimension_numbers<[1], [0], [0], [1], [0, 0, 1, 1], [], []>, transpose_lhs_hint = false} : vector<1024x128xf32>, vector<128x128xf32>, vector<1024x128xf32> -> vector<1024x128xf32>
    %get3A_17 = arith.constant 0 : index
    %get3A_18 = arith.constant 0 : index
    %get3A_19 = vector.load %arg6[%get3A_17, %get3A_18] : memref<1x128xf32, #tpu.memory_space<vmem>>, vector<1x128xf32>
    %add3A_20 = vector.broadcast %get3A_19 : vector<1x128xf32> to vector<1024x128xf32>
    %add3A_21 = arith.addf %dot_general3A_16, %add3A_20 : vector<1024x128xf32>
    %max3A = arith.constant 0.000000e+00 : f32
    %max3A_22 = vector.broadcast %max3A : f32 to vector<1024x128xf32>
    %max3A_23 = arith.maximumf %add3A_21, %max3A_22 : vector<1024x128xf32>
    %get3A_24 = arith.constant 0 : index
    %get3A_25 = arith.constant 0 : index
    %get3A_26 = vector.load %arg4[%get3A_24, %get3A_25] : memref<1024x1xf32, #tpu.memory_space<vmem>>, vector<1024x1xf32>
    %mul3A_27 = vector.broadcast %get3A_26 : vector<1024x1xf32> to vector<1024x128xf32>
    %mul3A_28 = arith.mulf %max3A_23, %mul3A_27 : vector<1024x128xf32>
    %swap3A = arith.constant 0 : index
    %swap3A_29 = arith.constant 0 : index
    %swap3A_30 = vector.load %arg7[%swap3A, %swap3A_29] : memref<1024x128xf32, #tpu.memory_space<vmem>>, vector<1024x128xf32>
    tpu.vector_store %arg7[%swap3A, %swap3A_29], %mul3A_28 {strides = array<i32>} : memref<1024x128xf32, #tpu.memory_space<vmem>>, vector<1024x128xf32>,
    return
  }
  func.func @transform_0(%arg0: i32) -> (i32, i32) {
    %c0_i32 = arith.constant 0 : i32
    %c0_i32_0 = arith.constant 0 : i32
    return %arg0, %c0_i32 : i32, i32
  }
  func.func @transform_1(%arg0: i32) -> (i32, i32) {
    %c0_i32 = arith.constant 0 : i32
    %c0_i32_0 = arith.constant 0 : i32
    return %arg0, %c0_i32 : i32, i32
  }
  func.func @transform_2(%arg0: i32) -> (i32, i32) {
    %c0_i32 = arith.constant 0 : i32
    %c0_i32_0 = arith.constant 0 : i32
    return %arg0, %c0_i32 : i32, i32
  }
  func.func @transform_3(%arg0: i32) -> (i32, i32) {
    %c0_i32 = arith.constant 0 : i32
    %c0_i32_0 = arith.constant 0 : i32
    return %arg0, %c0_i32 : i32, i32
  }
  func.func @transform_4(%arg0: i32) -> (i32, i32) {
    %c0_i32 = arith.constant 0 : i32
    %c0_i32_0 = arith.constant 0 : i32
    %c0_i32_1 = arith.constant 0 : i32
    return %c0_i32, %c0_i32_0 : i32, i32
  }
  func.func @transform_5(%arg0: i32) -> (i32, i32) {
    %c0_i32 = arith.constant 0 : i32
    %c0_i32_0 = arith.constant 0 : i32
    %c0_i32_1 = arith.constant 0 : i32
    return %c0_i32, %c0_i32_0 : i32, i32
  }
  func.func @transform_6(%arg0: i32) -> (i32, i32) {
    %c0_i32 = arith.constant 0 : i32
    %c0_i32_0 = arith.constant 0 : i32
    return %arg0, %c0_i32 : i32, i32
  }
}

module attributes {stable_mosaic.version = 14 : i64} {
  func.func @_head_body(%arg0: i32, %arg1: memref<1024x128xf32, #tpu.memory_space<vmem>>, %arg2: memref<1024x128xf32, #tpu.memory_space<vmem>>, %arg3: memref<1024x128xf32, #tpu.memory_space<vmem>>, %arg4: memref<1024x1xf32, #tpu.memory_space<vmem>>, %arg5: memref<128x64xf32, #tpu.memory_space<vmem>>, %arg6: memref<1x64xf32, #tpu.memory_space<vmem>>, %arg7: memref<128x64xf32, #tpu.memory_space<vmem>>, %arg8: memref<1x64xf32, #tpu.memory_space<vmem>>, %arg9: memref<1024x64xf32, #tpu.memory_space<vmem>>, %arg10: memref<1024x64xf32, #tpu.memory_space<vmem>>) attributes {dimension_semantics = [#tpu.dimension_semantics<arbitrary>], iteration_bounds = array<i64: 10>, scalar_prefetch = 0 : i64, scratch_operands = 0 : i64, tpu.core_type = #tpu.core_type<tc>, window_params = [{transform_indices = @transform_0, window_bounds = array<i64: 1024, 128>}, {transform_indices = @transform_1, window_bounds = array<i64: 1024, 128>}, {transform_indices = @transform_2, window_bounds = array<i64: 1024, 128>}, {transform_indices = @transform_3, window_bounds = array<i64: 1024, 1>}, {pipeline_mode = #tpu.pipeline_mode<synchronous>, transform_indices = @transform_4, window_bounds = array<i64: 128, 64>}, {pipeline_mode = #tpu.pipeline_mode<synchronous>, transform_indices = @transform_5, window_bounds = array<i64: 1, 64>}, {pipeline_mode = #tpu.pipeline_mode<synchronous>, transform_indices = @transform_6, window_bounds = array<i64: 128, 64>}, {pipeline_mode = #tpu.pipeline_mode<synchronous>, transform_indices = @transform_7, window_bounds = array<i64: 1, 64>}, {transform_indices = @transform_8, window_bounds = array<i64: 1024, 64>}, {transform_indices = @transform_9, window_bounds = array<i64: 1024, 64>}]} {
    %get3A = arith.constant 0 : index
    %get3A_0 = arith.constant 0 : index
    %get3A_1 = vector.load %arg1[%get3A, %get3A_0] : memref<1024x128xf32, #tpu.memory_space<vmem>>, vector<1024x128xf32>
    %get3A_2 = arith.constant 0 : index
    %get3A_3 = arith.constant 0 : index
    %get3A_4 = vector.load %arg2[%get3A_2, %get3A_3] : memref<1024x128xf32, #tpu.memory_space<vmem>>, vector<1024x128xf32>
    %add3A = arith.addf %get3A_1, %get3A_4 : vector<1024x128xf32>
    %get3A_5 = arith.constant 0 : index
    %get3A_6 = arith.constant 0 : index
    %get3A_7 = vector.load %arg3[%get3A_5, %get3A_6] : memref<1024x128xf32, #tpu.memory_space<vmem>>, vector<1024x128xf32>
    %add3A_8 = arith.addf %add3A, %get3A_7 : vector<1024x128xf32>
    %get3A_9 = arith.constant 0 : index
    %get3A_10 = arith.constant 0 : index
    %get3A_11 = vector.load %arg4[%get3A_9, %get3A_10] : memref<1024x1xf32, #tpu.memory_space<vmem>>, vector<1024x1xf32>
    %mul3A = vector.broadcast %get3A_11 : vector<1024x1xf32> to vector<1024x128xf32>
    %mul3A_12 = arith.mulf %add3A_8, %mul3A : vector<1024x128xf32>
    %get3A_13 = arith.constant 0 : index
    %get3A_14 = arith.constant 0 : index
    %get3A_15 = vector.load %arg5[%get3A_13, %get3A_14] : memref<128x64xf32, #tpu.memory_space<vmem>>, vector<128x64xf32>
    %dot_general3A = arith.constant dense<0.000000e+00> : vector<1024x64xf32>
    %dot_general3A_16 = tpu.matmul %mul3A_12, %get3A_15, %dot_general3A {dimension_numbers = #tpu.dot_dimension_numbers<[1], [0], [0], [1], [0, 0, 1, 1], [], []>, transpose_lhs_hint = false} : vector<1024x128xf32>, vector<128x64xf32>, vector<1024x64xf32> -> vector<1024x64xf32>
    %get3A_17 = arith.constant 0 : index
    %get3A_18 = arith.constant 0 : index
    %get3A_19 = vector.load %arg6[%get3A_17, %get3A_18] : memref<1x64xf32, #tpu.memory_space<vmem>>, vector<1x64xf32>
    %add3A_20 = vector.broadcast %get3A_19 : vector<1x64xf32> to vector<1024x64xf32>
    %add3A_21 = arith.addf %dot_general3A_16, %add3A_20 : vector<1024x64xf32>
    %swap3A = arith.constant 0 : index
    %swap3A_22 = arith.constant 0 : index
    %swap3A_23 = vector.load %arg9[%swap3A, %swap3A_22] : memref<1024x64xf32, #tpu.memory_space<vmem>>, vector<1024x64xf32>
    tpu.vector_store %arg9[%swap3A, %swap3A_22], %add3A_21 {strides = array<i32>} : memref<1024x64xf32, #tpu.memory_space<vmem>>, vector<1024x64xf32>,
    %get3A_24 = arith.constant 0 : index
    %get3A_25 = arith.constant 0 : index
    %get3A_26 = vector.load %arg7[%get3A_24, %get3A_25] : memref<128x64xf32, #tpu.memory_space<vmem>>, vector<128x64xf32>
    %dot_general3A_27 = arith.constant dense<0.000000e+00> : vector<1024x64xf32>
    %dot_general3A_28 = tpu.matmul %mul3A_12, %get3A_26, %dot_general3A_27 {dimension_numbers = #tpu.dot_dimension_numbers<[1], [0], [0], [1], [0, 0, 1, 1], [], []>, transpose_lhs_hint = false} : vector<1024x128xf32>, vector<128x64xf32>, vector<1024x64xf32> -> vector<1024x64xf32>
    %get3A_29 = arith.constant 0 : index
    %get3A_30 = arith.constant 0 : index
    %get3A_31 = vector.load %arg8[%get3A_29, %get3A_30] : memref<1x64xf32, #tpu.memory_space<vmem>>, vector<1x64xf32>
    %add3A_32 = vector.broadcast %get3A_31 : vector<1x64xf32> to vector<1024x64xf32>
    %add3A_33 = arith.addf %dot_general3A_28, %add3A_32 : vector<1024x64xf32>
    %swap3A_34 = arith.constant 0 : index
    %swap3A_35 = arith.constant 0 : index
    %swap3A_36 = vector.load %arg10[%swap3A_34, %swap3A_35] : memref<1024x64xf32, #tpu.memory_space<vmem>>, vector<1024x64xf32>
    tpu.vector_store %arg10[%swap3A_34, %swap3A_35], %add3A_33 {strides = array<i32>} : memref<1024x64xf32, #tpu.memory_space<vmem>>, vector<1024x64xf32>,
    return
  }
  func.func @transform_0(%arg0: i32) -> (i32, i32) {
    %c0_i32 = arith.constant 0 : i32
    %c0_i32_0 = arith.constant 0 : i32
    return %arg0, %c0_i32 : i32, i32
  }
  func.func @transform_1(%arg0: i32) -> (i32, i32) {
    %c0_i32 = arith.constant 0 : i32
    %c0_i32_0 = arith.constant 0 : i32
    return %arg0, %c0_i32 : i32, i32
  }
  func.func @transform_2(%arg0: i32) -> (i32, i32) {
    %c0_i32 = arith.constant 0 : i32
    %c0_i32_0 = arith.constant 0 : i32
    return %arg0, %c0_i32 : i32, i32
  }
  func.func @transform_3(%arg0: i32) -> (i32, i32) {
    %c0_i32 = arith.constant 0 : i32
    %c0_i32_0 = arith.constant 0 : i32
    return %arg0, %c0_i32 : i32, i32
  }
  func.func @transform_4(%arg0: i32) -> (i32, i32) {
    %c0_i32 = arith.constant 0 : i32
    %c0_i32_0 = arith.constant 0 : i32
    %c0_i32_1 = arith.constant 0 : i32
    return %c0_i32, %c0_i32_0 : i32, i32
  }
  func.func @transform_5(%arg0: i32) -> (i32, i32) {
    %c0_i32 = arith.constant 0 : i32
    %c0_i32_0 = arith.constant 0 : i32
    %c0_i32_1 = arith.constant 0 : i32
    return %c0_i32, %c0_i32_0 : i32, i32
  }
  func.func @transform_6(%arg0: i32) -> (i32, i32) {
    %c0_i32 = arith.constant 0 : i32
    %c0_i32_0 = arith.constant 0 : i32
    %c0_i32_1 = arith.constant 0 : i32
    return %c0_i32, %c0_i32_0 : i32, i32
  }
  func.func @transform_7(%arg0: i32) -> (i32, i32) {
    %c0_i32 = arith.constant 0 : i32
    %c0_i32_0 = arith.constant 0 : i32
    %c0_i32_1 = arith.constant 0 : i32
    return %c0_i32, %c0_i32_0 : i32, i32
  }
  func.func @transform_8(%arg0: i32) -> (i32, i32) {
    %c0_i32 = arith.constant 0 : i32
    %c0_i32_0 = arith.constant 0 : i32
    return %arg0, %c0_i32 : i32, i32
  }
  func.func @transform_9(%arg0: i32) -> (i32, i32) {
    %c0_i32 = arith.constant 0 : i32
    %c0_i32_0 = arith.constant 0 : i32
    return %arg0, %c0_i32 : i32, i32
  }
}

</mosaic_0001>

<sc_bundles>
// kernel: kernel.11.cloned.1.call-start
scs
__scs_entry_jumppad:
0x0: {  	(pc) =	sbr.rel $0x88, $3  }
0x1: {  	(tag) =	ssettag $0x0;
	lr =	simm.s32 $0x1  }
0x2: {  	[smem:$0x3F99] =	sst lr;
	_ =	strace $0xD0000000  }
0x3: {  	_ = 	snop  }
0x4: {  	_ = 	snop  }
0x5: {  	_ = 	snop  }
0x6: {  	_ = 	snop  }
0x7: {  	_ = 	snop  }
__scs_overlays_trampoline_lowered:
0x8: {  	[smem:$0x3FA8] =	sst s0  }
0x9: {  	[smem:$0x3FA9] =	sst s1  }
0xa: {  	[smem:$0x3FAA] =	sst s2  }
0xb: {  	[smem:$0x3FAB] =	sst s3  }
0xc: {  	[smem:$0x3FAC] =	sst s4  }
0xd: {  	[smem:$0x3FAD] =	sst s5  }
0xe: {  	[smem:$0x3FAE] =	sst s6  }
0xf: {  	[smem:$0x3FAF] =	sst s7  }
0x10: {  	[smem:$0x3FB0] =	sst s8  }
0x11: {  	[smem:$0x3FB1] =	sst s9;
	s0 =	simm.s32 @!p0 $0x0  }
0x12: {  	s1 =	sld [smem:$0x3F97];
	s0 =	simm.s32 @p0 $0x1  }
0x13: {  	[smem:$0x3FB2] =	sst s0;
	s0 =	simm.s32 @!p1 $0x0  }
0x14: {  	s2 =	sld [smem:$0x3F96];
	s0 =	simm.s32 @p1 $0x1  }
0x15: {  	[smem:$0x3FB3] =	sst s0;
	s0 =	simm.s32 @!p2 $0x0  }
0x16: {  	s3 =	sld [smem:$0x3FDB];
	s0 =	simm.s32 @p2 $0x1  }
0x17: {  	s4 =	simm.s32 $0x1BF5;
	[smem:$0x3FB5] =	sst s0  }
0x18: {  	s0 =	sld [smem:$0x3F98];
	_ =	swait.ge [sflag:s4], $0x0  }
0x19: {  	s7 =	sld [smem:$0x3F99]  }
0x1a: {  	s8 =	sadd.s32 $0xFFFFE003, lr  }
0x1b: {  	s9 =	sadd.s32 $0xFFFFFEF7, lr;
	s5 =	simm.s32 $0xFFFFFFFF;
	p2 =	slt.u32 s8, $0xFFFFF086  }
0x1c: {  	p1 =	slt.u32 s9, $0xF7A;
	s5 =	simm.s32 @!p2 $0x0  }
0x1d: {  	s5 =	simm.s32 @p1 $0x1;
	p0 =	seq.s32 s7, s2  }
0x1e: {  	s7 =	smul.u32 @!p0 $0xF7A, s2;
	p2 =	seq.s32 @!p0 s5, $0x0  }
0x1f: {  	s9 =	smul.u32 $0xF7A, s1;
	s8 =	simm.s32 @!p0 $0x1BF5;
	p2 =	por !p2, p0  }
0x20: {  	[sflag:s8] =	ssyncset.s32 @!p0 $0xFFFFF086;
	s6 =	sadd.s32 @!p0 s3, s7;
	s7 =	simm.s32 @!p0 $0x108  }
0x21: {  	s3 =	sadd.s32 s3, s9;
	s6 =	sadd.s32 @!p0 $0x88, s6;
	s7 =	simm.s32 @p2 $0x1082  }
0x22: {  	[simem:s7], [sflag:s8] =	dma.local @!p0 [hbm:s6], $0xF7A  }
0x23: {  	s9 =	sor.u32 $0xD0000000, s2;
	s6 =	simm.s32 $0x108;
	_ =	swait.ge @!p0 [sflag:s8], $0x0  }
0x24: {  	s3 =	sadd.s32 $0x88, s3;
	s6 =	simm.s32 @!p1 $0x1082;
	[sflag:s4] =	ssyncset.s32 $0xFFFFF086  }
0x25: {  	[simem:s6], [sflag:s4] =	dma.local [hbm:s3], $0xF7A  }
0x26: {  	[smem:$0x3F99] =	sst s1;
	(tag) =	ssettag s2;
	_ =	strace s9  }
0x27: {  	s1 =	sld [smem:$0x3FA9]  }
0x28: {  	s2 =	sld [smem:$0x3FAA]  }
0x29: {  	s4 =	sld [smem:$0x3FAC]  }
0x2a: {  	p0 =	seq.s32 s5, $0x0;
	s5 =	sld [smem:$0x3FAD]  }
0x2b: {  	s6 =	sld [smem:$0x3FAE]  }
0x2c: {  	s7 =	sld [smem:$0x3FAF]  }
0x2d: {  	s3 =	simm.s32 $0x108;
	s8 =	sld [smem:$0x3FB0]  }
0x2e: {  	s3 =	simm.s32 @!p0 $0x1082;
	s9 =	sld [smem:$0x3FB1]  }
0x2f: {  	lr =	sadd.s32 s0, s3;
	s0 =	sld [smem:$0x3FA8]  }
0x30: {  	s3 =	sld [smem:$0x3FAB]  }
0x31: {  	[smem:$0x3FB4] =	sst s10  }
0x32: {  	s10 =	sld [smem:$0x3FB2];
	_ =	sdelay $0x3  }
0x33: {  	p0 =	seq.s32 s10, $0x1;
	s10 =	sld [smem:$0x3FB4];
	_ =	sdelay $0x3  }
0x34: {  	[smem:$0x3FB4] =	sst s10  }
0x35: {  	s10 =	sld [smem:$0x3FB3];
	_ =	sdelay $0x3  }
0x36: {  	p1 =	seq.s32 s10, $0x1;
	s10 =	sld [smem:$0x3FB4];
	_ =	sdelay $0x3  }
0x37: {  	[smem:$0x3FB4] =	sst s10  }
0x38: {  	s10 =	sld [smem:$0x3FB5]  }
0x39: {  	_ = 	snop;
	(pc) =	sbr.ind lr, $3  }
0x3a: {  	_ = 	snop  }
0x3b: {  	_ = 	snop  }
0x3c: {  	p2 =	seq.s32 s10, $0x1;
	s10 =	sld [smem:$0x3FB4]  }
0x3d: {  	_ =	shalt  }
0x3e: {  	_ =	shalt  }
0x3f: {  	_ =	shalt  }
0x40: {  	_ =	shalt  }
0x41: {  	_ =	shalt  }
0x42: {  	_ =	shalt  }
0x43: {  	_ =	shalt  }
0x44: {  	_ =	shalt  }
0x45: {  	_ =	shalt  }
0x46: {  	_ =	shalt  }
0x47: {  	_ =	shalt  }
0x48: {  	_ =	shalt  }
0x49: {  	_ =	shalt  }
0x4a: {  	_ =	shalt  }
0x4b: {  	_ =	shalt  }
0x4c: {  	_ =	shalt  }
0x4d: {  	_ =	shalt  }
0x4e: {  	_ =	shalt  }
0x4f: {  	_ =	shalt  }
0x50: {  	_ =	shalt  }
0x51: {  	_ =	shalt  }
0x52: {  	_ =	shalt  }
0x53: {  	_ =	shalt  }
0x54: {  	_ =	shalt  }
0x55: {  	_ =	shalt  }
0x56: {  	_ =	shalt  }
0x57: {  	_ =	shalt  }
0x58: {  	_ =	shalt  }
0x59: {  	_ =	shalt  }
0x5a: {  	_ =	shalt  }
0x5b: {  	_ =	shalt  }
0x5c: {  	_ =	shalt  }
0x5d: {  	_ =	shalt  }
0x5e: {  	_ =	shalt  }
0x5f: {  	_ =	shalt  }
0x60: {  	_ =	shalt  }
0x61: {  	_ =	shalt  }
0x62: {  	_ =	shalt  }
0x63: {  	_ =	shalt  }
0x64: {  	_ =	shalt  }
0x65: {  	_ =	shalt  }
0x66: {  	_ =	shalt  }
0x67: {  	_ =	shalt  }
0x68: {  	_ =	shalt  }
0x69: {  	_ =	shalt  }
0x6a: {  	_ =	shalt  }
0x6b: {  	_ =	shalt  }
0x6c: {  	_ =	shalt  }
0x6d: {  	_ =	shalt  }
0x6e: {  	_ =	shalt  }
0x6f: {  	_ =	shalt  }
0x70: {  	_ =	shalt  }
0x71: {  	_ =	shalt  }
0x72: {  	_ =	shalt  }
0x73: {  	_ =	shalt  }
0x74: {  	_ =	shalt  }
0x75: {  	_ =	shalt  }
0x76: {  	_ =	shalt  }
0x77: {  	_ =	shalt  }
0x78: {  	_ =	shalt  }
0x79: {  	_ =	shalt  }
0x7a: {  	_ =	shalt  }
0x7b: {  	_ =	shalt  }
0x7c: {  	_ =	shalt  }
0x7d: {  	_ =	shalt  }
0x7e: {  	_ =	shalt  }
0x7f: {  	_ =	shalt  }
0x80: {  	_ =	shalt  }
0x81: {  	_ =	shalt  }
0x82: {  	_ =	shalt  }
0x83: {  	_ =	shalt  }
0x84: {  	_ =	shalt  }
0x85: {  	_ =	shalt  }
0x86: {  	_ =	shalt  }
0x87: {  	_ =	shalt  }
.Lfunc_end0:
.L_simem_size_0:
called_computation.1_lowered:
.L_overlay_start_0:
0x88: {  	s2 =	sld [smem:$0x3FD9]  }
0x89: {  	s3 =	sld [smem:$0x3FFE];
	_ =	sdelay $0x1  }
0x8a: {  	s1 =	srdreg.scid  }
0x8b: {  	s0 =	sand.u32 $0x1, s1  }
0x8c: {  	s14 =	sshll.u32 s0, $0xA;
	s2 =	sadd.s32 s3, s2  }
0x8d: {  	s2 =	sadd.s32 s2, s14  }
0x8e: {  	[smem:$0x3FC0] =	sst s2  }
0x8f: {  	_ = 	snop  }
0x90: {  	s2 =	sld [smem:$0x3FD0];
	_ =	sdelay $0x2  }
0x91: {  	s15 =	simm.s32 $0xA;
	s4 =	simm.s32 $0x10  }
0x92: {  	[smem:s4], [sflag:s15] =	dma.local [hbm:s2], $0x1  }
0x93: {  	_ =	swait.eq [sflag:s15], $0x1  }
0x94: {  	[sflag:s15] =	ssyncset.done $0x0  }
0x95: {  	s16 =	sld [smem:$0x10];
	[sflag:s15] =	ssyncadd.s32 $0xFFFFFFFF  }
0x96: {  	s17 =	sld [smem:$0x11];
	(tm) =	ssettm $0x1  }
0x97: {  	s18 =	sld [smem:$0x3FFB];
	_ =	sdelay $0x3  }
0x98: {  	_ =	strace s18  }
0x99: {  	s4 =	sld [smem:$0x3FFC];
	_ =	sdelay $0x3  }
0x9a: {  	_ =	strace s4  }
0x9b: {  	s4 =	sld [smem:$0x3FFD];
	_ =	sdelay $0x3  }
0x9c: {  	_ =	strace s4  }
0x9d: {  	_ =	strace $0x8FFFFFFF  }
0x9e: {  	s19 =	sld [smem:$0x3FDB];
	_ =	sdelay $0x1  }
0x9f: {  	s5 =	simm.s32 $_scs_section_size  }
0xa0: {  	s6 =	simm.s32 $_size__tile_overlayer_lowered;
	s7 =	simm.s32 $_tile_overlayer_lowered  }
0xa1: {  	s22 =	simm.s32 $0x1BFF;
	s21 =	sshll.u32 s7, $0x1;
	s4 =	sadd.s32 s5, s19  }
0xa2: {  	s8 =	simm.s32 $0x0;
	s20 =	sshll.u32 s6, $0x1;
	s6 =	sadd.s32 s21, s4  }
0xa3: {  	[timem:s8], [sflag:s22] =	dma.local [hbm:s6], s20  }
0xa4: {  	_ =	swait.ge [sflag:s22], s20  }
0xa5: {  	s5 =	ssub.s32 $0x0, s20;
	[sflag:s22] =	ssyncset.done $0x0  }
0xa6: {  	[sflag:s22] =	ssyncadd.s32 s5;
	_ =	sdelay $0x1  }
0xa7: {  	s23 =	simm.s32 $0x1B8B  }
0xa8: {  	_ =	swait.ge [sflag:s23], $0x1  }
0xa9: {  	[sflag:s23] =	ssyncset.done $0x0  }
0xaa: {  	s25 =	simm.s32 $0x1B8E;
	s24 =	sld [smem:$0x3FFE];
	[sflag:s23] =	ssyncadd.s32 $0xFFFFFFFF  }
0xab: {  	s26 =	simm.s32 $execute0_lowered;
	[smem:$0x3FD2] =	sst s25  }
0xac: {  	s6 =	sshll.u32 s26, $0x1;
	_ =	strace $0x80000049;
	[dreg:$0x1] =	wrdreg $0xFFFFFFFF  }
0xad: {  	s28 =	simm.s32 $_size_execute0_lowered;
	s4 =	sadd.s32 s4, s6;
	[dreg:$0x0] =	wrdreg $0x0  }
0xae: {  	s6 =	sshll.u32 s28, $0x1;
	[dreg:$0x2] =	wrdreg s4  }
0xaf: {  	[dreg:$0x3] =	wrdreg s6  }
0xb0: {  	[dreg:$0x4] =	wrdreg $0xC0  }
0xb1: {  	_ =	task [dreg:s8], $0x5FFFF  }
0xb2: {  	[dreg:$0x1] =	wrdreg $0xFFFFFFFF  }
0xb3: {  	[dreg:$0x0] =	wrdreg $0x60  }
0xb4: {  	[dreg:$0x2] =	wrdreg s24  }
0xb5: {  	[dreg:$0x3] =	wrdreg s16  }
0xb6: {  	[dreg:$0x4] =	wrdreg s17  }
0xb7: {  	[dreg:$0x5] =	wrdreg $0x90000  }
0xb8: {  	[dreg:$0x6] =	wrdreg $0x9  }
0xb9: {  	_ =	task.clear_ibuf [dreg:s8], $0x7FFFF;
	_ =	strace $0x90000049  }
0xba: {  	s29 =	simm.s32 $0x9;
	_ =	strace $0x8000004B  }
0xbb: {  	_ =	swait.ge [sflag:s29], $0x1  }
0xbc: {  	[sflag:s29] =	ssyncadd.s32 $0xFFFFFFFF  }
0xbd: {  	_ =	strace $0x9000004B  }
0xbe: {  	_ =	sfence  }
0xbf: {  	s30 =	sld [smem:$0x0];
	_ =	sdelay $0x2  }
0xc0: {  	s31 =	sshll.u32 s1, $0xD;
	s1 =	sshrl.u32 s1, $0x2  }
0xc1: {  	s3 =	sand.u32 $0x4000, s31;
	s1 =	sadd.s32 s1, s30  }
0xc2: {  	s0 =	sor.u32 s3, s0;
	s1 =	sshll.u32 s1, $0x11  }
0xc3: {  	s0 =	sor.u32 s1, s0  }
0xc4: {  	s0 =	sadd.s32 $0x8F2B, s0  }
0xc5: {  	[sflag:s0] =	ssyncadd.remote.s32 $0x1  }
0xc6: {  	_ =	sfence.sel $0xFFFF  }
0xc7: {  	[dreg:$0x0] =	wrdreg $0xFFFFFFFF;
	(pc) =	sbr.abs _section_cstart, $3  }
0xc8: {  	[dreg:$0x1] =	wrdreg $0xFFFFFFFF  }
0xc9: {  	_ =	task.clear_ibuf [dreg:s8], $0x2FFFF;
	_ =	strace $0x9FFFFFFF  }
0xca: {  	(tm) =	ssettm $0x7FFFFFFF  }
0xcb: {  	_ =	shalt  }
tec
execute0_lowered:
.L_overlay_start_1:
0x0: {  	(tag) =	ssettag $0x1  }
0x1: {  	s5 =	rddreg [dreg:$0x0]  }
0x2: {  	s6 =	rddreg [dreg:$0x1]  }
0x3: {  	s7 =	rddreg [dreg:$0x2]  }
0x4: {  	s2 =	rddreg [dreg:$0x3]  }
0x5: {  	s0 =	rddreg [dreg:$0x4];
	s4 =	srdreg.scid  }
0x6: {  	s3 =	simm.s32 $0x0;
	s1 =	stileid.u32;
	s14 =	simm.s32 $0x80  }
0x7: {  	s15 =	simm.s32 $0x5000;
	s16 =	simm.s32 $0x0;
	s9 =	smul.u32 $0x2800, s1  }
0x8: {  	s8 =	sand.u32 $0x1, s4;
	[smem:$0x7FF] =	sst s3;
	s13 =	smul.u32 $0x50000, s1  }
0x9: {  	s31 =	sshll.u32 s1, $0x6;
	s4 =	sshll.u32 s8, $0x4;
	_ =	strace $0x8000004A  }
0xa: {  	s10 =	smul.u32 $0x28000, s8;
	s8 =	ssub.s32 $0x2, s8;
	s11 =	sor.u32 s1, s4  }
0xb: {  	s4 =	sadd.s32 $0x3000, s5;
	s12 =	sshrl.u32 s8, $0x1;
	s30 =	sshrl.u32 s13, $0x2  }
0xc: {  	s11 =	smul.u32 $0x500, s11;
	s10 =	sadd.s32 s9, s10;
	s9 =	sadd.s32 s9, s5  }
0xd: {  	s12 =	ssub.s32 s8, s12;
	s13 =	sadd.s32 s30, s2;
	s10 =	sadd.s32 s10, s5  }
0xe: {  	s13 =	sshrl.u32 s13, $0x3;
	s5 =	sadd.s32 s6, s11;
	s6 =	sadd.s32 s7, s11  }
0xf: {  	s7 =	sadd.s32 $0x53000, s9;
	s8 =	sadd.s32 $0x7B000, s10;
	s9 =	smax.u32 s12, $0x1  }
0x10: {  	s10 =	simm.s32 $0x1;
	s11 =	simm.s32 $0x2800;
	s12 =	sor.u32 $0x1C01, s31  }
.LBB2_1:
0x11: {  	[tilespmem:s3], [sflag:$0x1] =	stream.linear.gather [hbm4b:s5+s3], $0x2780, $0x38;
	[tilespmem:$0x1D000] =	vst v63  }
0x12: {  	_ =	swait.ge [sflag:s10], $0x2780  }
0x13: {  	[sflag:s10] =	ssyncset.done $0x0  }
0x14: {  	[sflag:s10] =	ssyncadd.s32 $0xFFFFD880  }
0x15: {  	[tilespmem:s11], [sflag:$0x1] =	stream.linear.gather [hbm4b:s6+s3], $0x2780, $0x38;
	[tilespmem:$0x1D000] =	vst v63  }
0x16: {  	_ =	swait.ge [sflag:s10], $0x2780  }
0x17: {  	[sflag:s10] =	ssyncset.done $0x0  }
0x18: {  	[sflag:s10] =	ssyncadd.s32 $0xFFFFD880  }
0x19: {  	[spmem:s13], [sflag:s12] =	dma.local [hbm:s7], $0x2800  }
0x1a: {  	_ =	swait.ge [sflag:s10], $0x2800  }
0x1b: {  	[sflag:s10] =	ssyncset.done $0x0  }
0x1c: {  	[sflag:s10] =	ssyncadd.s32 $0xFFFFD800  }
0x1d: {  	s17 =	simm.s32 $0x0;
	[bflag:$0x0] =	sbarrier.arrive $0xFFFF  }
0x1e: {  	[tilespmem:s15], [sflag:$0x1] =	stream.indirect.gather [hbm4b:s4+s14], $0x80, s17, s14, $0xb8;
	[tilespmem:$0x1D000] =	vst v63  }
0x1f: {  	_ =	swait.ge [sflag:s10], $0x4000  }
0x20: {  	[sflag:s10] =	ssyncset.done $0x0  }
0x21: {  	s31 =	simm.s32 $0x2800;
	[sflag:s10] =	ssyncadd.s32 $0xFFFFC000  }
0x22: {  	[spmem:s2] =	stream.indirect.scatter.add.f32 [tilespmem:s15], [sflag:$0x1], $0x80, s31, s14, $0xb8;
	[tilespmem:$0x1D000] =	vst v63  }
0x23: {  	_ =	swait.ge [sflag:s10], $0x4000  }
0x24: {  	s18 =	simm.s32 $0x400;
	s17 =	simm.s32 $0x200;
	[sflag:s10] =	ssyncset.done $0x0  }
.LBB2_2:
0x25: {  	s19 =	sshra.s32 s17, $0x2  }
0x26: {  	[sflag:s10] =	ssyncadd.s32 $0xFFFFC000;
	s17 =	smov.u32 s18;
	s20 =	sadd.s32 $0x200, s18  }
0x27: {  	[tilespmem:s15], [sflag:$0x1] =	stream.indirect.gather [hbm4b:s4+s14], $0x80, s19, s14, $0xb8;
	[tilespmem:$0x1D000] =	vst v63  }
0x28: {  	p0 =	sne.s32 s18, $0x9C00;
	_ =	swait.ge [sflag:s10], $0x4000  }
.Ltmp0:
0x29: {  	[sflag:s10] =	ssyncset.done $0x0;
	(pc) =	sbr.rel @p0 .LBB2_2-.Ltmp0, $4  }
0x2a: {  	s18 =	sadd.s32 $0x2800, s19;
	[sflag:s10] =	ssyncadd.s32 $0xFFFFC000  }
0x2b: {  	[spmem:s2] =	stream.indirect.scatter.add.f32 [tilespmem:s15], [sflag:$0x1], $0x80, s18, s14, $0xb8;
	[tilespmem:$0x1D000] =	vst v63  }
0x2c: {  	_ =	swait.ge [sflag:s10], $0x4000  }
0x2d: {  	s18 =	smov.u32 s20;
	[sflag:s10] =	ssyncset.done $0x0  }
0x2e: {  	s17 =	sshra.s32 s17, $0x2;
	[sflag:s10] =	ssyncadd.s32 $0xFFFFC000  }
0x2f: {  	[tilespmem:s15], [sflag:$0x1] =	stream.indirect.gather [hbm4b:s4+s14], $0x80, s17, s14, $0xb8;
	[tilespmem:$0x1D000] =	vst v63  }
0x30: {  	_ =	swait.ge [sflag:s10], $0x4000  }
0x31: {  	[sflag:s10] =	ssyncset.done $0x0  }
0x32: {  	s17 =	sadd.s32 $0x2800, s17;
	[sflag:s10] =	ssyncadd.s32 $0xFFFFC000  }
0x33: {  	[spmem:s2] =	stream.indirect.scatter.add.f32 [tilespmem:s15], [sflag:$0x1], $0x80, s17, s14, $0xb8;
	[tilespmem:$0x1D000] =	vst v63  }
0x34: {  	_ =	swait.ge [sflag:s10], $0x4000  }
0x35: {  	s16 =	sadd.s32 $0x1, s16;
	[sflag:s10] =	ssyncset.done $0x0  }
0x36: {  	p0 =	sne.s32 s16, s9;
	[sflag:s10] =	ssyncadd.s32 $0xFFFFC000  }
.Ltmp1:
0x37: {  	[bflag:$0x0] =	sbarrier.arrive $0xFFFF;
	(pc) =	sbr.rel @p0 .LBB2_1-.Ltmp1, $4  }
0x38: {  	[hbm:s8], [sflag:s12] =	dma.local [spmem:s13], $0x2800  }
0x39: {  	_ =	swait.ge [sflag:s10], $0x2800  }
0x3a: {  	[sflag:s10] =	ssyncset.done $0x0  }
0x3b: {  	[sflag:s10] =	ssyncadd.s32 $0xFFFFD800  }
0x3c: {  	_ =	sfence.sel $0x180000  }
0x3d: {  	[bflag:$0x0] =	sbarrier.arrive $0xFFFF  }
0x3e: {  	p0 =	sne.s32 s1, $0x0;
	_ =	strace $0x9000004A  }
0x3f: {  	s0 =	sadd.s32 @!p0 $0x100000, s0;
	[bflag:$0x2] =	sbarrier.arrive $0xFFFF  }
0x40: {  	[sflag:s0] =	ssyncadd.tile.s32 @!p0 $0x1;
	_ =	shalt  }
.Lfunc_end2:
_tile_overlayer_lowered:
.L_overlay_start_2:
0x41: {  	(tag) =	ssettag $0x2  }
0x42: {  	s0 =	rddreg [dreg:$0x0];
	s2 =	stileid.u32  }
0x43: {  	s1 =	rddreg [dreg:$0x1];
	p0 =	sne.s32 s2, $0x0  }
0x44: {  	s3 =	rddreg [dreg:$0x2];
	[bflag:$0x3] =	sbarrier.arrive $0xFFFF;
	s2 =	simm.s32 @!p0 $0x1C01  }
0x45: {  	[timem:s3], [sflag:s2] =	dma.local @!p0 [hbm:s0], s1  }
0x46: {  	s0 =	simm.s32 @!p0 $0x1  }
0x47: {  	_ =	swait.ge @!p0 [sflag:s0], s1  }
0x48: {  	s1 =	ssub.s32 @!p0 $0x0, s1;
	[sflag:s0] =	ssyncset.done @!p0 $0x0  }
0x49: {  	[sflag:s0] =	ssyncadd.s32 @!p0 s1  }
0x4a: {  	[bflag:$0x3] =	sbarrier.arrive $0xFFFF  }
0x4b: {  	_ =	shalt  }

// kernel: kernel.14.cloned.1.call-start
scs
__scs_entry_jumppad:
0x0: {  	(pc) =	sbr.rel $0x88, $3  }
0x1: {  	(tag) =	ssettag $0x0;
	lr =	simm.s32 $0x1  }
0x2: {  	[smem:$0x3F99] =	sst lr;
	_ =	strace $0xD0000000  }
0x3: {  	_ = 	snop  }
0x4: {  	_ = 	snop  }
0x5: {  	_ = 	snop  }
0x6: {  	_ = 	snop  }
0x7: {  	_ = 	snop  }
__scs_overlays_trampoline_lowered:
0x8: {  	[smem:$0x3FA8] =	sst s0  }
0x9: {  	[smem:$0x3FA9] =	sst s1  }
0xa: {  	[smem:$0x3FAA] =	sst s2  }
0xb: {  	[smem:$0x3FAB] =	sst s3  }
0xc: {  	[smem:$0x3FAC] =	sst s4  }
0xd: {  	[smem:$0x3FAD] =	sst s5  }
0xe: {  	[smem:$0x3FAE] =	sst s6  }
0xf: {  	[smem:$0x3FAF] =	sst s7  }
0x10: {  	[smem:$0x3FB0] =	sst s8  }
0x11: {  	[smem:$0x3FB1] =	sst s9;
	s0 =	simm.s32 @!p0 $0x0  }
0x12: {  	s1 =	sld [smem:$0x3F97];
	s0 =	simm.s32 @p0 $0x1  }
0x13: {  	[smem:$0x3FB2] =	sst s0;
	s0 =	simm.s32 @!p1 $0x0  }
0x14: {  	s2 =	sld [smem:$0x3F96];
	s0 =	simm.s32 @p1 $0x1  }
0x15: {  	[smem:$0x3FB3] =	sst s0;
	s0 =	simm.s32 @!p2 $0x0  }
0x16: {  	s3 =	sld [smem:$0x3FDB];
	s0 =	simm.s32 @p2 $0x1  }
0x17: {  	s4 =	simm.s32 $0x1BF5;
	[smem:$0x3FB5] =	sst s0  }
0x18: {  	s0 =	sld [smem:$0x3F98];
	_ =	swait.ge [sflag:s4], $0x0  }
0x19: {  	s7 =	sld [smem:$0x3F99]  }
0x1a: {  	s8 =	sadd.s32 $0xFFFFE003, lr  }
0x1b: {  	s9 =	sadd.s32 $0xFFFFFEF7, lr;
	s5 =	simm.s32 $0xFFFFFFFF;
	p2 =	slt.u32 s8, $0xFFFFF086  }
0x1c: {  	p1 =	slt.u32 s9, $0xF7A;
	s5 =	simm.s32 @!p2 $0x0  }
0x1d: {  	s5 =	simm.s32 @p1 $0x1;
	p0 =	seq.s32 s7, s2  }
0x1e: {  	s7 =	smul.u32 @!p0 $0xF7A, s2;
	p2 =	seq.s32 @!p0 s5, $0x0  }
0x1f: {  	s9 =	smul.u32 $0xF7A, s1;
	s8 =	simm.s32 @!p0 $0x1BF5;
	p2 =	por !p2, p0  }
0x20: {  	[sflag:s8] =	ssyncset.s32 @!p0 $0xFFFFF086;
	s6 =	sadd.s32 @!p0 s3, s7;
	s7 =	simm.s32 @!p0 $0x108  }
0x21: {  	s3 =	sadd.s32 s3, s9;
	s6 =	sadd.s32 @!p0 $0x88, s6;
	s7 =	simm.s32 @p2 $0x1082  }
0x22: {  	[simem:s7], [sflag:s8] =	dma.local @!p0 [hbm:s6], $0xF7A  }
0x23: {  	s9 =	sor.u32 $0xD0000000, s2;
	s6 =	simm.s32 $0x108;
	_ =	swait.ge @!p0 [sflag:s8], $0x0  }
0x24: {  	s3 =	sadd.s32 $0x88, s3;
	s6 =	simm.s32 @!p1 $0x1082;
	[sflag:s4] =	ssyncset.s32 $0xFFFFF086  }
0x25: {  	[simem:s6], [sflag:s4] =	dma.local [hbm:s3], $0xF7A  }
0x26: {  	[smem:$0x3F99] =	sst s1;
	(tag) =	ssettag s2;
	_ =	strace s9  }
0x27: {  	s1 =	sld [smem:$0x3FA9]  }
0x28: {  	s2 =	sld [smem:$0x3FAA]  }
0x29: {  	s4 =	sld [smem:$0x3FAC]  }
0x2a: {  	p0 =	seq.s32 s5, $0x0;
	s5 =	sld [smem:$0x3FAD]  }
0x2b: {  	s6 =	sld [smem:$0x3FAE]  }
0x2c: {  	s7 =	sld [smem:$0x3FAF]  }
0x2d: {  	s3 =	simm.s32 $0x108;
	s8 =	sld [smem:$0x3FB0]  }
0x2e: {  	s3 =	simm.s32 @!p0 $0x1082;
	s9 =	sld [smem:$0x3FB1]  }
0x2f: {  	lr =	sadd.s32 s0, s3;
	s0 =	sld [smem:$0x3FA8]  }
0x30: {  	s3 =	sld [smem:$0x3FAB]  }
0x31: {  	[smem:$0x3FB4] =	sst s10  }
0x32: {  	s10 =	sld [smem:$0x3FB2];
	_ =	sdelay $0x3  }
0x33: {  	p0 =	seq.s32 s10, $0x1;
	s10 =	sld [smem:$0x3FB4];
	_ =	sdelay $0x3  }
0x34: {  	[smem:$0x3FB4] =	sst s10  }
0x35: {  	s10 =	sld [smem:$0x3FB3];
	_ =	sdelay $0x3  }
0x36: {  	p1 =	seq.s32 s10, $0x1;
	s10 =	sld [smem:$0x3FB4];
	_ =	sdelay $0x3  }
0x37: {  	[smem:$0x3FB4] =	sst s10  }
0x38: {  	s10 =	sld [smem:$0x3FB5]  }
0x39: {  	_ = 	snop;
	(pc) =	sbr.ind lr, $3  }
0x3a: {  	_ = 	snop  }
0x3b: {  	_ = 	snop  }
0x3c: {  	p2 =	seq.s32 s10, $0x1;
	s10 =	sld [smem:$0x3FB4]  }
0x3d: {  	_ =	shalt  }
0x3e: {  	_ =	shalt  }
0x3f: {  	_ =	shalt  }
0x40: {  	_ =	shalt  }
0x41: {  	_ =	shalt  }
0x42: {  	_ =	shalt  }
0x43: {  	_ =	shalt  }
0x44: {  	_ =	shalt  }
0x45: {  	_ =	shalt  }
0x46: {  	_ =	shalt  }
0x47: {  	_ =	shalt  }
0x48: {  	_ =	shalt  }
0x49: {  	_ =	shalt  }
0x4a: {  	_ =	shalt  }
0x4b: {  	_ =	shalt  }
0x4c: {  	_ =	shalt  }
0x4d: {  	_ =	shalt  }
0x4e: {  	_ =	shalt  }
0x4f: {  	_ =	shalt  }
0x50: {  	_ =	shalt  }
0x51: {  	_ =	shalt  }
0x52: {  	_ =	shalt  }
0x53: {  	_ =	shalt  }
0x54: {  	_ =	shalt  }
0x55: {  	_ =	shalt  }
0x56: {  	_ =	shalt  }
0x57: {  	_ =	shalt  }
0x58: {  	_ =	shalt  }
0x59: {  	_ =	shalt  }
0x5a: {  	_ =	shalt  }
0x5b: {  	_ =	shalt  }
0x5c: {  	_ =	shalt  }
0x5d: {  	_ =	shalt  }
0x5e: {  	_ =	shalt  }
0x5f: {  	_ =	shalt  }
0x60: {  	_ =	shalt  }
0x61: {  	_ =	shalt  }
0x62: {  	_ =	shalt  }
0x63: {  	_ =	shalt  }
0x64: {  	_ =	shalt  }
0x65: {  	_ =	shalt  }
0x66: {  	_ =	shalt  }
0x67: {  	_ =	shalt  }
0x68: {  	_ =	shalt  }
0x69: {  	_ =	shalt  }
0x6a: {  	_ =	shalt  }
0x6b: {  	_ =	shalt  }
0x6c: {  	_ =	shalt  }
0x6d: {  	_ =	shalt  }
0x6e: {  	_ =	shalt  }
0x6f: {  	_ =	shalt  }
0x70: {  	_ =	shalt  }
0x71: {  	_ =	shalt  }
0x72: {  	_ =	shalt  }
0x73: {  	_ =	shalt  }
0x74: {  	_ =	shalt  }
0x75: {  	_ =	shalt  }
0x76: {  	_ =	shalt  }
0x77: {  	_ =	shalt  }
0x78: {  	_ =	shalt  }
0x79: {  	_ =	shalt  }
0x7a: {  	_ =	shalt  }
0x7b: {  	_ =	shalt  }
0x7c: {  	_ =	shalt  }
0x7d: {  	_ =	shalt  }
0x7e: {  	_ =	shalt  }
0x7f: {  	_ =	shalt  }
0x80: {  	_ =	shalt  }
0x81: {  	_ =	shalt  }
0x82: {  	_ =	shalt  }
0x83: {  	_ =	shalt  }
0x84: {  	_ =	shalt  }
0x85: {  	_ =	shalt  }
0x86: {  	_ =	shalt  }
0x87: {  	_ =	shalt  }
.Lfunc_end0:
.L_simem_size_0:
called_computation.2_lowered:
.L_overlay_start_0:
0x88: {  	s2 =	sld [smem:$0x3FD9]  }
0x89: {  	s3 =	sld [smem:$0x3FFE];
	_ =	sdelay $0x1  }
0x8a: {  	s1 =	srdreg.scid  }
0x8b: {  	s0 =	sand.u32 $0x1, s1  }
0x8c: {  	s14 =	sshll.u32 s0, $0xA;
	s2 =	sadd.s32 s3, s2  }
0x8d: {  	s2 =	sadd.s32 s2, s14  }
0x8e: {  	[smem:$0x3FC0] =	sst s2  }
0x8f: {  	_ = 	snop  }
0x90: {  	s2 =	sld [smem:$0x3FD0];
	_ =	sdelay $0x2  }
0x91: {  	s15 =	simm.s32 $0xA;
	s4 =	simm.s32 $0x10  }
0x92: {  	[smem:s4], [sflag:s15] =	dma.local [hbm:s2], $0x1  }
0x93: {  	_ =	swait.eq [sflag:s15], $0x1  }
0x94: {  	[sflag:s15] =	ssyncset.done $0x0  }
0x95: {  	s16 =	sld [smem:$0x10];
	[sflag:s15] =	ssyncadd.s32 $0xFFFFFFFF  }
0x96: {  	s17 =	sld [smem:$0x11];
	(tm) =	ssettm $0x1  }
0x97: {  	s18 =	sld [smem:$0x3FFB];
	_ =	sdelay $0x3  }
0x98: {  	_ =	strace s18  }
0x99: {  	s4 =	sld [smem:$0x3FFC];
	_ =	sdelay $0x3  }
0x9a: {  	_ =	strace s4  }
0x9b: {  	s4 =	sld [smem:$0x3FFD];
	_ =	sdelay $0x3  }
0x9c: {  	_ =	strace s4  }
0x9d: {  	_ =	strace $0x8FFFFFFF  }
0x9e: {  	s19 =	sld [smem:$0x3FDB];
	_ =	sdelay $0x1  }
0x9f: {  	s5 =	simm.s32 $_scs_section_size  }
0xa0: {  	s6 =	simm.s32 $_size__tile_overlayer_lowered;
	s7 =	simm.s32 $_tile_overlayer_lowered  }
0xa1: {  	s22 =	simm.s32 $0x1BFF;
	s21 =	sshll.u32 s7, $0x1;
	s4 =	sadd.s32 s5, s19  }
0xa2: {  	s8 =	simm.s32 $0x0;
	s20 =	sshll.u32 s6, $0x1;
	s6 =	sadd.s32 s21, s4  }
0xa3: {  	[timem:s8], [sflag:s22] =	dma.local [hbm:s6], s20  }
0xa4: {  	_ =	swait.ge [sflag:s22], s20  }
0xa5: {  	s5 =	ssub.s32 $0x0, s20;
	[sflag:s22] =	ssyncset.done $0x0  }
0xa6: {  	[sflag:s22] =	ssyncadd.s32 s5;
	_ =	sdelay $0x1  }
0xa7: {  	s23 =	simm.s32 $0x1B8B  }
0xa8: {  	_ =	swait.ge [sflag:s23], $0x1  }
0xa9: {  	[sflag:s23] =	ssyncset.done $0x0  }
0xaa: {  	s25 =	simm.s32 $0x1B8E;
	s24 =	sld [smem:$0x3FFE];
	[sflag:s23] =	ssyncadd.s32 $0xFFFFFFFF  }
0xab: {  	s26 =	simm.s32 $execute0_lowered;
	[smem:$0x3FD2] =	sst s25  }
0xac: {  	s6 =	sshll.u32 s26, $0x1;
	_ =	strace $0x8000004C;
	[dreg:$0x1] =	wrdreg $0xFFFFFFFF  }
0xad: {  	s28 =	simm.s32 $_size_execute0_lowered;
	s4 =	sadd.s32 s4, s6;
	[dreg:$0x0] =	wrdreg $0x0  }
0xae: {  	s6 =	sshll.u32 s28, $0x1;
	[dreg:$0x2] =	wrdreg s4  }
0xaf: {  	[dreg:$0x3] =	wrdreg s6  }
0xb0: {  	[dreg:$0x4] =	wrdreg $0xC0  }
0xb1: {  	_ =	task [dreg:s8], $0x5FFFF  }
0xb2: {  	[dreg:$0x1] =	wrdreg $0xFFFFFFFF  }
0xb3: {  	[dreg:$0x0] =	wrdreg $0x60  }
0xb4: {  	[dreg:$0x2] =	wrdreg s24  }
0xb5: {  	[dreg:$0x3] =	wrdreg s16  }
0xb6: {  	[dreg:$0x4] =	wrdreg s17  }
0xb7: {  	[dreg:$0x5] =	wrdreg $0x90000  }
0xb8: {  	[dreg:$0x6] =	wrdreg $0x9  }
0xb9: {  	_ =	task.clear_ibuf [dreg:s8], $0x7FFFF;
	_ =	strace $0x9000004C  }
0xba: {  	s29 =	simm.s32 $0x9;
	_ =	strace $0x8000004E  }
0xbb: {  	_ =	swait.ge [sflag:s29], $0x1  }
0xbc: {  	[sflag:s29] =	ssyncadd.s32 $0xFFFFFFFF  }
0xbd: {  	_ =	strace $0x9000004E  }
0xbe: {  	_ =	sfence  }
0xbf: {  	s30 =	sld [smem:$0x0];
	_ =	sdelay $0x2  }
0xc0: {  	s31 =	sshll.u32 s1, $0xD;
	s1 =	sshrl.u32 s1, $0x2  }
0xc1: {  	s3 =	sand.u32 $0x4000, s31;
	s1 =	sadd.s32 s1, s30  }
0xc2: {  	s0 =	sor.u32 s3, s0;
	s1 =	sshll.u32 s1, $0x11  }
0xc3: {  	s0 =	sor.u32 s1, s0  }
0xc4: {  	s0 =	sadd.s32 $0x8F2B, s0  }
0xc5: {  	[sflag:s0] =	ssyncadd.remote.s32 $0x1  }
0xc6: {  	_ =	sfence.sel $0xFFFF  }
0xc7: {  	[dreg:$0x0] =	wrdreg $0xFFFFFFFF;
	(pc) =	sbr.abs _section_cstart, $3  }
0xc8: {  	[dreg:$0x1] =	wrdreg $0xFFFFFFFF  }
0xc9: {  	_ =	task.clear_ibuf [dreg:s8], $0x2FFFF;
	_ =	strace $0x9FFFFFFF  }
0xca: {  	(tm) =	ssettm $0x7FFFFFFF  }
0xcb: {  	_ =	shalt  }
tec
execute0_lowered:
.L_overlay_start_1:
0x0: {  	(tag) =	ssettag $0x1  }
0x1: {  	s5 =	rddreg [dreg:$0x0]  }
0x2: {  	s6 =	rddreg [dreg:$0x1]  }
0x3: {  	s7 =	rddreg [dreg:$0x2]  }
0x4: {  	s2 =	rddreg [dreg:$0x3]  }
0x5: {  	s0 =	rddreg [dreg:$0x4];
	s4 =	srdreg.scid  }
0x6: {  	s3 =	simm.s32 $0x0;
	s1 =	stileid.u32;
	s14 =	simm.s32 $0x80  }
0x7: {  	s15 =	simm.s32 $0x5000;
	s16 =	simm.s32 $0x0;
	s9 =	smul.u32 $0x2800, s1  }
0x8: {  	s8 =	sand.u32 $0x1, s4;
	[smem:$0x7FF] =	sst s3;
	s13 =	smul.u32 $0x50000, s1  }
0x9: {  	s31 =	sshll.u32 s1, $0x6;
	s4 =	sshll.u32 s8, $0x4;
	_ =	strace $0x8000004D  }
0xa: {  	s10 =	smul.u32 $0x28000, s8;
	s8 =	ssub.s32 $0x2, s8;
	s11 =	sor.u32 s1, s4  }
0xb: {  	s4 =	sadd.s32 $0x3000, s5;
	s12 =	sshrl.u32 s8, $0x1;
	s30 =	sshrl.u32 s13, $0x2  }
0xc: {  	s11 =	smul.u32 $0x500, s11;
	s10 =	sadd.s32 s9, s10;
	s9 =	sadd.s32 s9, s5  }
0xd: {  	s12 =	ssub.s32 s8, s12;
	s13 =	sadd.s32 s30, s2;
	s10 =	sadd.s32 s10, s5  }
0xe: {  	s13 =	sshrl.u32 s13, $0x3;
	s5 =	sadd.s32 s6, s11;
	s6 =	sadd.s32 s7, s11  }
0xf: {  	s7 =	sadd.s32 $0x53000, s9;
	s8 =	sadd.s32 $0x7B000, s10;
	s9 =	smax.u32 s12, $0x1  }
0x10: {  	s10 =	simm.s32 $0x1;
	s11 =	simm.s32 $0x2800;
	s12 =	sor.u32 $0x1C01, s31  }
.LBB2_1:
0x11: {  	[tilespmem:s3], [sflag:$0x1] =	stream.linear.gather [hbm4b:s5+s3], $0x2780, $0x38;
	[tilespmem:$0x1D000] =	vst v63  }
0x12: {  	_ =	swait.ge [sflag:s10], $0x2780  }
0x13: {  	[sflag:s10] =	ssyncset.done $0x0  }
0x14: {  	[sflag:s10] =	ssyncadd.s32 $0xFFFFD880  }
0x15: {  	[tilespmem:s11], [sflag:$0x1] =	stream.linear.gather [hbm4b:s6+s3], $0x2780, $0x38;
	[tilespmem:$0x1D000] =	vst v63  }
0x16: {  	_ =	swait.ge [sflag:s10], $0x2780  }
0x17: {  	[sflag:s10] =	ssyncset.done $0x0  }
0x18: {  	[sflag:s10] =	ssyncadd.s32 $0xFFFFD880  }
0x19: {  	[spmem:s13], [sflag:s12] =	dma.local [hbm:s7], $0x2800  }
0x1a: {  	_ =	swait.ge [sflag:s10], $0x2800  }
0x1b: {  	[sflag:s10] =	ssyncset.done $0x0  }
0x1c: {  	[sflag:s10] =	ssyncadd.s32 $0xFFFFD800  }
0x1d: {  	s17 =	simm.s32 $0x0;
	[bflag:$0x0] =	sbarrier.arrive $0xFFFF  }
0x1e: {  	[tilespmem:s15], [sflag:$0x1] =	stream.indirect.gather [hbm4b:s4+s14], $0x80, s17, s14, $0xb8;
	[tilespmem:$0x1D000] =	vst v63  }
0x1f: {  	_ =	swait.ge [sflag:s10], $0x4000  }
0x20: {  	[sflag:s10] =	ssyncset.done $0x0  }
0x21: {  	s31 =	simm.s32 $0x2800;
	[sflag:s10] =	ssyncadd.s32 $0xFFFFC000  }
0x22: {  	[spmem:s2] =	stream.indirect.scatter.add.f32 [tilespmem:s15], [sflag:$0x1], $0x80, s31, s14, $0xb8;
	[tilespmem:$0x1D000] =	vst v63  }
0x23: {  	_ =	swait.ge [sflag:s10], $0x4000  }
0x24: {  	s18 =	simm.s32 $0x400;
	s17 =	simm.s32 $0x200;
	[sflag:s10] =	ssyncset.done $0x0  }
.LBB2_2:
0x25: {  	s19 =	sshra.s32 s17, $0x2  }
0x26: {  	[sflag:s10] =	ssyncadd.s32 $0xFFFFC000;
	s17 =	smov.u32 s18;
	s20 =	sadd.s32 $0x200, s18  }
0x27: {  	[tilespmem:s15], [sflag:$0x1] =	stream.indirect.gather [hbm4b:s4+s14], $0x80, s19, s14, $0xb8;
	[tilespmem:$0x1D000] =	vst v63  }
0x28: {  	p0 =	sne.s32 s18, $0x9C00;
	_ =	swait.ge [sflag:s10], $0x4000  }
.Ltmp0:
0x29: {  	[sflag:s10] =	ssyncset.done $0x0;
	(pc) =	sbr.rel @p0 .LBB2_2-.Ltmp0, $4  }
0x2a: {  	s18 =	sadd.s32 $0x2800, s19;
	[sflag:s10] =	ssyncadd.s32 $0xFFFFC000  }
0x2b: {  	[spmem:s2] =	stream.indirect.scatter.add.f32 [tilespmem:s15], [sflag:$0x1], $0x80, s18, s14, $0xb8;
	[tilespmem:$0x1D000] =	vst v63  }
0x2c: {  	_ =	swait.ge [sflag:s10], $0x4000  }
0x2d: {  	s18 =	smov.u32 s20;
	[sflag:s10] =	ssyncset.done $0x0  }
0x2e: {  	s17 =	sshra.s32 s17, $0x2;
	[sflag:s10] =	ssyncadd.s32 $0xFFFFC000  }
0x2f: {  	[tilespmem:s15], [sflag:$0x1] =	stream.indirect.gather [hbm4b:s4+s14], $0x80, s17, s14, $0xb8;
	[tilespmem:$0x1D000] =	vst v63  }
0x30: {  	_ =	swait.ge [sflag:s10], $0x4000  }
0x31: {  	[sflag:s10] =	ssyncset.done $0x0  }
0x32: {  	s17 =	sadd.s32 $0x2800, s17;
	[sflag:s10] =	ssyncadd.s32 $0xFFFFC000  }
0x33: {  	[spmem:s2] =	stream.indirect.scatter.add.f32 [tilespmem:s15], [sflag:$0x1], $0x80, s17, s14, $0xb8;
	[tilespmem:$0x1D000] =	vst v63  }
0x34: {  	_ =	swait.ge [sflag:s10], $0x4000  }
0x35: {  	s16 =	sadd.s32 $0x1, s16;
	[sflag:s10] =	ssyncset.done $0x0  }
0x36: {  	p0 =	sne.s32 s16, s9;
	[sflag:s10] =	ssyncadd.s32 $0xFFFFC000  }
.Ltmp1:
0x37: {  	[bflag:$0x0] =	sbarrier.arrive $0xFFFF;
	(pc) =	sbr.rel @p0 .LBB2_1-.Ltmp1, $4  }
0x38: {  	[hbm:s8], [sflag:s12] =	dma.local [spmem:s13], $0x2800  }
0x39: {  	_ =	swait.ge [sflag:s10], $0x2800  }
0x3a: {  	[sflag:s10] =	ssyncset.done $0x0  }
0x3b: {  	[sflag:s10] =	ssyncadd.s32 $0xFFFFD800  }
0x3c: {  	_ =	sfence.sel $0x180000  }
0x3d: {  	[bflag:$0x0] =	sbarrier.arrive $0xFFFF  }
0x3e: {  	p0 =	sne.s32 s1, $0x0;
	_ =	strace $0x9000004D  }
0x3f: {  	s0 =	sadd.s32 @!p0 $0x100000, s0;
	[bflag:$0x2] =	sbarrier.arrive $0xFFFF  }
0x40: {  	[sflag:s0] =	ssyncadd.tile.s32 @!p0 $0x1;
	_ =	shalt  }
.Lfunc_end2:
_tile_overlayer_lowered:
.L_overlay_start_2:
0x41: {  	(tag) =	ssettag $0x2  }
0x42: {  	s0 =	rddreg [dreg:$0x0];
	s2 =	stileid.u32  }
0x43: {  	s1 =	rddreg [dreg:$0x1];
	p0 =	sne.s32 s2, $0x0  }
0x44: {  	s3 =	rddreg [dreg:$0x2];
	[bflag:$0x3] =	sbarrier.arrive $0xFFFF;
	s2 =	simm.s32 @!p0 $0x1C01  }
0x45: {  	[timem:s3], [sflag:s2] =	dma.local @!p0 [hbm:s0], s1  }
0x46: {  	s0 =	simm.s32 @!p0 $0x1  }
0x47: {  	_ =	swait.ge @!p0 [sflag:s0], s1  }
0x48: {  	s1 =	ssub.s32 @!p0 $0x0, s1;
	[sflag:s0] =	ssyncset.done @!p0 $0x0  }
0x49: {  	[sflag:s0] =	ssyncadd.s32 @!p0 s1  }
0x4a: {  	[bflag:$0x3] =	sbarrier.arrive $0xFFFF  }
0x4b: {  	_ =	shalt  }

// kernel: kernel.8.cloned.1.call-start
scs
__scs_entry_jumppad:
0x0: {  	(pc) =	sbr.rel $0x88, $3  }
0x1: {  	(tag) =	ssettag $0x0;
	lr =	simm.s32 $0x1  }
0x2: {  	[smem:$0x3F99] =	sst lr;
	_ =	strace $0xD0000000  }
0x3: {  	_ = 	snop  }
0x4: {  	_ = 	snop  }
0x5: {  	_ = 	snop  }
0x6: {  	_ = 	snop  }
0x7: {  	_ = 	snop  }
__scs_overlays_trampoline_lowered:
0x8: {  	[smem:$0x3FA8] =	sst s0  }
0x9: {  	[smem:$0x3FA9] =	sst s1  }
0xa: {  	[smem:$0x3FAA] =	sst s2  }
0xb: {  	[smem:$0x3FAB] =	sst s3  }
0xc: {  	[smem:$0x3FAC] =	sst s4  }
0xd: {  	[smem:$0x3FAD] =	sst s5  }
0xe: {  	[smem:$0x3FAE] =	sst s6  }
0xf: {  	[smem:$0x3FAF] =	sst s7  }
0x10: {  	[smem:$0x3FB0] =	sst s8  }
0x11: {  	[smem:$0x3FB1] =	sst s9;
	s0 =	simm.s32 @!p0 $0x0  }
0x12: {  	s1 =	sld [smem:$0x3F97];
	s0 =	simm.s32 @p0 $0x1  }
0x13: {  	[smem:$0x3FB2] =	sst s0;
	s0 =	simm.s32 @!p1 $0x0  }
0x14: {  	s2 =	sld [smem:$0x3F96];
	s0 =	simm.s32 @p1 $0x1  }
0x15: {  	[smem:$0x3FB3] =	sst s0;
	s0 =	simm.s32 @!p2 $0x0  }
0x16: {  	s3 =	sld [smem:$0x3FDB];
	s0 =	simm.s32 @p2 $0x1  }
0x17: {  	s4 =	simm.s32 $0x1BF5;
	[smem:$0x3FB5] =	sst s0  }
0x18: {  	s0 =	sld [smem:$0x3F98];
	_ =	swait.ge [sflag:s4], $0x0  }
0x19: {  	s7 =	sld [smem:$0x3F99]  }
0x1a: {  	s8 =	sadd.s32 $0xFFFFE003, lr  }
0x1b: {  	s9 =	sadd.s32 $0xFFFFFEF7, lr;
	s5 =	simm.s32 $0xFFFFFFFF;
	p2 =	slt.u32 s8, $0xFFFFF086  }
0x1c: {  	p1 =	slt.u32 s9, $0xF7A;
	s5 =	simm.s32 @!p2 $0x0  }
0x1d: {  	s5 =	simm.s32 @p1 $0x1;
	p0 =	seq.s32 s7, s2  }
0x1e: {  	s7 =	smul.u32 @!p0 $0xF7A, s2;
	p2 =	seq.s32 @!p0 s5, $0x0  }
0x1f: {  	s9 =	smul.u32 $0xF7A, s1;
	s8 =	simm.s32 @!p0 $0x1BF5;
	p2 =	por !p2, p0  }
0x20: {  	[sflag:s8] =	ssyncset.s32 @!p0 $0xFFFFF086;
	s6 =	sadd.s32 @!p0 s3, s7;
	s7 =	simm.s32 @!p0 $0x108  }
0x21: {  	s3 =	sadd.s32 s3, s9;
	s6 =	sadd.s32 @!p0 $0x88, s6;
	s7 =	simm.s32 @p2 $0x1082  }
0x22: {  	[simem:s7], [sflag:s8] =	dma.local @!p0 [hbm:s6], $0xF7A  }
0x23: {  	s9 =	sor.u32 $0xD0000000, s2;
	s6 =	simm.s32 $0x108;
	_ =	swait.ge @!p0 [sflag:s8], $0x0  }
0x24: {  	s3 =	sadd.s32 $0x88, s3;
	s6 =	simm.s32 @!p1 $0x1082;
	[sflag:s4] =	ssyncset.s32 $0xFFFFF086  }
0x25: {  	[simem:s6], [sflag:s4] =	dma.local [hbm:s3], $0xF7A  }
0x26: {  	[smem:$0x3F99] =	sst s1;
	(tag) =	ssettag s2;
	_ =	strace s9  }
0x27: {  	s1 =	sld [smem:$0x3FA9]  }
0x28: {  	s2 =	sld [smem:$0x3FAA]  }
0x29: {  	s4 =	sld [smem:$0x3FAC]  }
0x2a: {  	p0 =	seq.s32 s5, $0x0;
	s5 =	sld [smem:$0x3FAD]  }
0x2b: {  	s6 =	sld [smem:$0x3FAE]  }
0x2c: {  	s7 =	sld [smem:$0x3FAF]  }
0x2d: {  	s3 =	simm.s32 $0x108;
	s8 =	sld [smem:$0x3FB0]  }
0x2e: {  	s3 =	simm.s32 @!p0 $0x1082;
	s9 =	sld [smem:$0x3FB1]  }
0x2f: {  	lr =	sadd.s32 s0, s3;
	s0 =	sld [smem:$0x3FA8]  }
0x30: {  	s3 =	sld [smem:$0x3FAB]  }
0x31: {  	[smem:$0x3FB4] =	sst s10  }
0x32: {  	s10 =	sld [smem:$0x3FB2];
	_ =	sdelay $0x3  }
0x33: {  	p0 =	seq.s32 s10, $0x1;
	s10 =	sld [smem:$0x3FB4];
	_ =	sdelay $0x3  }
0x34: {  	[smem:$0x3FB4] =	sst s10  }
0x35: {  	s10 =	sld [smem:$0x3FB3];
	_ =	sdelay $0x3  }
0x36: {  	p1 =	seq.s32 s10, $0x1;
	s10 =	sld [smem:$0x3FB4];
	_ =	sdelay $0x3  }
0x37: {  	[smem:$0x3FB4] =	sst s10  }
0x38: {  	s10 =	sld [smem:$0x3FB5]  }
0x39: {  	_ = 	snop;
	(pc) =	sbr.ind lr, $3  }
0x3a: {  	_ = 	snop  }
0x3b: {  	_ = 	snop  }
0x3c: {  	p2 =	seq.s32 s10, $0x1;
	s10 =	sld [smem:$0x3FB4]  }
0x3d: {  	_ =	shalt  }
0x3e: {  	_ =	shalt  }
0x3f: {  	_ =	shalt  }
0x40: {  	_ =	shalt  }
0x41: {  	_ =	shalt  }
0x42: {  	_ =	shalt  }
0x43: {  	_ =	shalt  }
0x44: {  	_ =	shalt  }
0x45: {  	_ =	shalt  }
0x46: {  	_ =	shalt  }
0x47: {  	_ =	shalt  }
0x48: {  	_ =	shalt  }
0x49: {  	_ =	shalt  }
0x4a: {  	_ =	shalt  }
0x4b: {  	_ =	shalt  }
0x4c: {  	_ =	shalt  }
0x4d: {  	_ =	shalt  }
0x4e: {  	_ =	shalt  }
0x4f: {  	_ =	shalt  }
0x50: {  	_ =	shalt  }
0x51: {  	_ =	shalt  }
0x52: {  	_ =	shalt  }
0x53: {  	_ =	shalt  }
0x54: {  	_ =	shalt  }
0x55: {  	_ =	shalt  }
0x56: {  	_ =	shalt  }
0x57: {  	_ =	shalt  }
0x58: {  	_ =	shalt  }
0x59: {  	_ =	shalt  }
0x5a: {  	_ =	shalt  }
0x5b: {  	_ =	shalt  }
0x5c: {  	_ =	shalt  }
0x5d: {  	_ =	shalt  }
0x5e: {  	_ =	shalt  }
0x5f: {  	_ =	shalt  }
0x60: {  	_ =	shalt  }
0x61: {  	_ =	shalt  }
0x62: {  	_ =	shalt  }
0x63: {  	_ =	shalt  }
0x64: {  	_ =	shalt  }
0x65: {  	_ =	shalt  }
0x66: {  	_ =	shalt  }
0x67: {  	_ =	shalt  }
0x68: {  	_ =	shalt  }
0x69: {  	_ =	shalt  }
0x6a: {  	_ =	shalt  }
0x6b: {  	_ =	shalt  }
0x6c: {  	_ =	shalt  }
0x6d: {  	_ =	shalt  }
0x6e: {  	_ =	shalt  }
0x6f: {  	_ =	shalt  }
0x70: {  	_ =	shalt  }
0x71: {  	_ =	shalt  }
0x72: {  	_ =	shalt  }
0x73: {  	_ =	shalt  }
0x74: {  	_ =	shalt  }
0x75: {  	_ =	shalt  }
0x76: {  	_ =	shalt  }
0x77: {  	_ =	shalt  }
0x78: {  	_ =	shalt  }
0x79: {  	_ =	shalt  }
0x7a: {  	_ =	shalt  }
0x7b: {  	_ =	shalt  }
0x7c: {  	_ =	shalt  }
0x7d: {  	_ =	shalt  }
0x7e: {  	_ =	shalt  }
0x7f: {  	_ =	shalt  }
0x80: {  	_ =	shalt  }
0x81: {  	_ =	shalt  }
0x82: {  	_ =	shalt  }
0x83: {  	_ =	shalt  }
0x84: {  	_ =	shalt  }
0x85: {  	_ =	shalt  }
0x86: {  	_ =	shalt  }
0x87: {  	_ =	shalt  }
.Lfunc_end0:
.L_simem_size_0:
called_computation_lowered:
.L_overlay_start_0:
0x88: {  	s2 =	sld [smem:$0x3FD9]  }
0x89: {  	s3 =	sld [smem:$0x3FFE];
	_ =	sdelay $0x1  }
0x8a: {  	s1 =	srdreg.scid  }
0x8b: {  	s0 =	sand.u32 $0x1, s1  }
0x8c: {  	s14 =	sshll.u32 s0, $0xA;
	s2 =	sadd.s32 s3, s2  }
0x8d: {  	s2 =	sadd.s32 s2, s14  }
0x8e: {  	[smem:$0x3FC0] =	sst s2  }
0x8f: {  	_ = 	snop  }
0x90: {  	s2 =	sld [smem:$0x3FD0];
	_ =	sdelay $0x2  }
0x91: {  	s15 =	simm.s32 $0xA;
	s4 =	simm.s32 $0x10  }
0x92: {  	[smem:s4], [sflag:s15] =	dma.local [hbm:s2], $0x1  }
0x93: {  	_ =	swait.eq [sflag:s15], $0x1  }
0x94: {  	[sflag:s15] =	ssyncset.done $0x0  }
0x95: {  	[sflag:s15] =	ssyncadd.s32 $0xFFFFFFFF  }
0x96: {  	s16 =	sld [smem:$0x11];
	(tm) =	ssettm $0x1  }
0x97: {  	s17 =	sld [smem:$0x3FFB];
	_ =	sdelay $0x3  }
0x98: {  	_ =	strace s17  }
0x99: {  	s3 =	sld [smem:$0x3FFC];
	_ =	sdelay $0x3  }
0x9a: {  	_ =	strace s3  }
0x9b: {  	s3 =	sld [smem:$0x3FFD];
	_ =	sdelay $0x3  }
0x9c: {  	_ =	strace s3  }
0x9d: {  	_ =	strace $0x8FFFFFFF  }
0x9e: {  	s18 =	sld [smem:$0x3FDB];
	_ =	sdelay $0x1  }
0x9f: {  	s19 =	simm.s32 $_scs_section_size  }
0xa0: {  	s5 =	simm.s32 $_size__tile_overlayer_lowered;
	s6 =	simm.s32 $_tile_overlayer_lowered  }
0xa1: {  	s22 =	simm.s32 $0x1BFF;
	s21 =	sshll.u32 s6, $0x1;
	s3 =	sadd.s32 s19, s18  }
0xa2: {  	s7 =	simm.s32 $0x0;
	s20 =	sshll.u32 s5, $0x1;
	s5 =	sadd.s32 s21, s3  }
0xa3: {  	[timem:s7], [sflag:s22] =	dma.local [hbm:s5], s20  }
0xa4: {  	_ =	swait.ge [sflag:s22], s20  }
0xa5: {  	s4 =	ssub.s32 $0x0, s20;
	[sflag:s22] =	ssyncset.done $0x0  }
0xa6: {  	[sflag:s22] =	ssyncadd.s32 s4;
	_ =	sdelay $0x1  }
0xa7: {  	s23 =	simm.s32 $0x1B8B  }
0xa8: {  	_ =	swait.ge [sflag:s23], $0x1  }
0xa9: {  	[sflag:s23] =	ssyncset.done $0x0  }
0xaa: {  	s25 =	simm.s32 $0x1B8E;
	s24 =	sld [smem:$0x3FFE];
	[sflag:s23] =	ssyncadd.s32 $0xFFFFFFFF  }
0xab: {  	s26 =	simm.s32 $execute0_lowered;
	[smem:$0x3FD2] =	sst s25  }
0xac: {  	s5 =	sshll.u32 s26, $0x1;
	_ =	strace $0x80000046;
	[dreg:$0x1] =	wrdreg $0xFFFFFFFF  }
0xad: {  	s28 =	simm.s32 $_size_execute0_lowered;
	s3 =	sadd.s32 s3, s5;
	[dreg:$0x0] =	wrdreg $0x0  }
0xae: {  	s5 =	sshll.u32 s28, $0x1;
	[dreg:$0x2] =	wrdreg s3  }
0xaf: {  	[dreg:$0x3] =	wrdreg s5  }
0xb0: {  	[dreg:$0x4] =	wrdreg $0xC0  }
0xb1: {  	_ =	task [dreg:s7], $0x5FFFF  }
0xb2: {  	[dreg:$0x1] =	wrdreg $0xFFFFFFFF  }
0xb3: {  	[dreg:$0x0] =	wrdreg $0x60  }
0xb4: {  	[dreg:$0x2] =	wrdreg s24  }
0xb5: {  	[dreg:$0x3] =	wrdreg s16  }
0xb6: {  	[dreg:$0x4] =	wrdreg $0x68000  }
0xb7: {  	[dreg:$0x5] =	wrdreg $0x9  }
0xb8: {  	_ =	task.clear_ibuf [dreg:s7], $0x6FFFF;
	_ =	strace $0x90000046  }
0xb9: {  	s29 =	simm.s32 $0x9;
	_ =	strace $0x80000048  }
0xba: {  	_ =	swait.ge [sflag:s29], $0x1  }
0xbb: {  	[sflag:s29] =	ssyncadd.s32 $0xFFFFFFFF  }
0xbc: {  	_ =	strace $0x90000048  }
0xbd: {  	_ =	sfence  }
0xbe: {  	s30 =	sld [smem:$0x0];
	_ =	sdelay $0x2  }
0xbf: {  	s31 =	sshll.u32 s1, $0xD;
	s1 =	sshrl.u32 s1, $0x2  }
0xc0: {  	s3 =	sand.u32 $0x4000, s31;
	s1 =	sadd.s32 s1, s30  }
0xc1: {  	s0 =	sor.u32 s3, s0;
	s1 =	sshll.u32 s1, $0x11  }
0xc2: {  	s0 =	sor.u32 s1, s0  }
0xc3: {  	s0 =	sadd.s32 $0x8F2B, s0  }
0xc4: {  	[sflag:s0] =	ssyncadd.remote.s32 $0x1  }
0xc5: {  	_ =	sfence.sel $0xFFFF  }
0xc6: {  	[dreg:$0x0] =	wrdreg $0xFFFFFFFF;
	(pc) =	sbr.abs _section_cstart, $3  }
0xc7: {  	[dreg:$0x1] =	wrdreg $0xFFFFFFFF  }
0xc8: {  	_ =	task.clear_ibuf [dreg:s7], $0x2FFFF;
	_ =	strace $0x9FFFFFFF  }
0xc9: {  	(tm) =	ssettm $0x7FFFFFFF  }
tec
execute0_lowered:
.L_overlay_start_1:
0x0: {  	(tag) =	ssettag $0x1  }
0x1: {  	s5 =	rddreg [dreg:$0x0]  }
0x2: {  	s6 =	rddreg [dreg:$0x1]  }
0x3: {  	s2 =	rddreg [dreg:$0x2]  }
0x4: {  	s0 =	rddreg [dreg:$0x3];
	s3 =	simm.s32 $0x0;
	s1 =	stileid.u32  }
0x5: {  	s8 =	srdreg.scid;
	s13 =	simm.s32 $0x80;
	s14 =	simm.s32 $0x0  }
0x6: {  	[smem:$0x7FF] =	sst s3;
	s7 =	smul.u32 $0x2800, s1;
	s4 =	sadd.s32 $0x2B000, s5  }
0x7: {  	s8 =	sand.u32 $0x1, s8;
	s12 =	smul.u32 $0x50000, s1;
	s31 =	sshll.u32 s1, $0x6  }
0x8: {  	_ =	strace $0x80000047;
	s10 =	smul.u32 $0x28000, s8;
	s11 =	sshll.u32 s8, $0x4  }
0x9: {  	s8 =	ssub.s32 $0x2, s8;
	s9 =	sadd.s32 s7, s5;
	s11 =	sor.u32 s1, s11  }
0xa: {  	s29 =	sshrl.u32 s8, $0x1;
	s30 =	sshrl.u32 s12, $0x2;
	s7 =	sadd.s32 s7, s10  }
0xb: {  	s11 =	smul.u32 $0x500, s11;
	s8 =	ssub.s32 s8, s29;
	s12 =	sadd.s32 s30, s2  }
0xc: {  	s10 =	simm.s32 $0x2800;
	s7 =	sadd.s32 s7, s5;
	s8 =	smax.u32 s8, $0x1  }
0xd: {  	s12 =	sshrl.u32 s12, $0x3;
	s5 =	sadd.s32 s6, s11;
	s6 =	sadd.s32 $0x3000, s9  }
0xe: {  	s7 =	sadd.s32 $0x2B800, s7;
	s9 =	simm.s32 $0x1;
	s11 =	sor.u32 $0x1C01, s31  }
.LBB2_1:
0xf: {  	[tilespmem:s3], [sflag:$0x1] =	stream.linear.gather [hbm4b:s5+s3], $0x2780, $0x38;
	[tilespmem:$0x9000] =	vst v63  }
0x10: {  	_ =	swait.ge [sflag:s9], $0x2780  }
0x11: {  	[sflag:s9] =	ssyncset.done $0x0  }
0x12: {  	[sflag:s9] =	ssyncadd.s32 $0xFFFFD880  }
0x13: {  	[tilespmem:s10], [sflag:$0x1] =	stream.linear.gather [hbm4b:s4+s3], $0x4000, $0x38;
	[tilespmem:$0x9000] =	vst v63  }
0x14: {  	_ =	swait.ge [sflag:s9], $0x4000  }
0x15: {  	[sflag:s9] =	ssyncset.done $0x0  }
0x16: {  	[sflag:s9] =	ssyncadd.s32 $0xFFFFC000  }
0x17: {  	[spmem:s12], [sflag:s11] =	dma.local [hbm:s6], $0x2800  }
0x18: {  	_ =	swait.ge [sflag:s9], $0x2800  }
0x19: {  	[sflag:s9] =	ssyncset.done $0x0  }
0x1a: {  	[sflag:s9] =	ssyncadd.s32 $0xFFFFD800  }
0x1b: {  	s15 =	simm.s32 $0x0;
	[bflag:$0x0] =	sbarrier.arrive $0xFFFF  }
0x1c: {  	[spmem:s2] =	stream.indirect.scatter.add.f32 [tilespmem:s10], [sflag:$0x1], $0x10, s15, s13, $0xb8;
	[tilespmem:$0x9000] =	vst v63  }
0x1d: {  	_ =	swait.ge [sflag:s9], $0x800  }
0x1e: {  	s15 =	simm.s32 $0x200;
	[sflag:s9] =	ssyncset.done $0x0  }
.LBB2_2:
0x1f: {  	s16 =	sshra.s32 s15, $0x2;
	[sflag:s9] =	ssyncadd.s32 $0xFFFFF800;
	p0 =	sne.s32 s15, $0x9C00  }
0x20: {  	[spmem:s2] =	stream.indirect.scatter.add.f32 [tilespmem:s10], [sflag:$0x1], $0x10, s16, s13, $0xb8;
	[tilespmem:$0x9000] =	vst v63  }
.Ltmp0:
0x21: {  	_ = 	snop;
	(pc) =	sbr.rel @p0 .LBB2_2-.Ltmp0, $4  }
0x22: {  	_ = 	snop  }
0x23: {  	s15 =	sadd.s32 $0x200, s15  }
0x24: {  	_ =	swait.ge [sflag:s9], $0x800  }
0x25: {  	[sflag:s9] =	ssyncset.done $0x0  }
0x26: {  	s14 =	sadd.s32 $0x1, s14  }
0x27: {  	[sflag:s9] =	ssyncadd.s32 $0xFFFFF800;
	p0 =	sne.s32 s14, s8  }
.Ltmp1:
0x28: {  	[bflag:$0x0] =	sbarrier.arrive $0xFFFF;
	(pc) =	sbr.rel @p0 .LBB2_1-.Ltmp1, $4  }
0x29: {  	[hbm:s7], [sflag:s11] =	dma.local [spmem:s12], $0x2800  }
0x2a: {  	_ =	swait.ge [sflag:s9], $0x2800  }
0x2b: {  	[sflag:s9] =	ssyncset.done $0x0  }
0x2c: {  	[sflag:s9] =	ssyncadd.s32 $0xFFFFD800  }
0x2d: {  	_ =	sfence.sel $0x180000  }
0x2e: {  	[bflag:$0x0] =	sbarrier.arrive $0xFFFF  }
0x2f: {  	p0 =	sne.s32 s1, $0x0;
	_ =	strace $0x90000047  }
0x30: {  	s0 =	sadd.s32 @!p0 $0x100000, s0;
	[bflag:$0x2] =	sbarrier.arrive $0xFFFF  }
0x31: {  	[sflag:s0] =	ssyncadd.tile.s32 @!p0 $0x1;
	_ =	shalt  }
.Lfunc_end2:
_tile_overlayer_lowered:
.L_overlay_start_2:
0x32: {  	(tag) =	ssettag $0x2  }
0x33: {  	s0 =	rddreg [dreg:$0x0];
	s2 =	stileid.u32  }
0x34: {  	s1 =	rddreg [dreg:$0x1];
	p0 =	sne.s32 s2, $0x0  }
0x35: {  	s3 =	rddreg [dreg:$0x2];
	[bflag:$0x3] =	sbarrier.arrive $0xFFFF;
	s2 =	simm.s32 @!p0 $0x1C01  }
0x36: {  	[timem:s3], [sflag:s2] =	dma.local @!p0 [hbm:s0], s1  }
0x37: {  	s0 =	simm.s32 @!p0 $0x1  }
0x38: {  	_ =	swait.ge @!p0 [sflag:s0], s1  }
0x39: {  	s1 =	ssub.s32 @!p0 $0x0, s1;
	[sflag:s0] =	ssyncset.done @!p0 $0x0  }
0x3a: {  	[sflag:s0] =	ssyncadd.s32 @!p0 s1  }
0x3b: {  	[bflag:$0x3] =	sbarrier.arrive $0xFFFF  }
0x3c: {  	_ =	shalt  }

</sc_bundles>
